<compile_context>
chip_gen: v7x
topology: tpu7x:2x2x1
jax: 0.10.2.dev20260603
libtpu: 0.0.44.dev20260713+nightly
codegen_flags: <defaults>
</compile_context>

<pallas_src>
import functools

import jax
import jax.numpy as jnp
from jax import lax
from jax.experimental import pallas as pl
from jax.experimental.pallas import tpu as pltpu
from jax.experimental.pallas import tpu_sc as plsc

N_NODES = 10000
NP = 10240
NSUB = 16
RPT = NP // NSUB
K = 128
T = 158
EPAD = NSUB * T * K


def _make_agg_fs(df):
  mesh = plsc.VectorSubcoreMesh(core_axis_name="c", subcore_axis_name="s")

  @functools.partial(
      pl.kernel,
      out_type=jax.ShapeDtypeStruct((2 * NP, df), jnp.float32),
      mesh=mesh,
      compiler_params=pltpu.CompilerParams(use_tc_tiling_on_sc=False),
      scratch_types=[
          pltpu.VMEM((T, K), jnp.int32),
          pltpu.VMEM((T, K), jnp.int32),
          pltpu.VMEM((2, K, df), jnp.float32),
          pltpu.VMEM_SHARED((NP, df), jnp.float32),
          pltpu.SemaphoreType.DMA((2,)),
      ],
  )
  def agg(tab, srcfs, dst16, out, src_v, dst_v, rows, acc, sems):
    c = lax.axis_index("c")
    s = lax.axis_index("s")
    w = c * NSUB + s
    r0 = s * RPT
    pltpu.sync_copy(tab.at[pl.ds(c * NP + r0, RPT)], acc.at[pl.ds(r0, RPT)])
    pltpu.sync_copy(srcfs.at[w], src_v)
    pltpu.sync_copy(dst16.at[s], dst_v)
    plsc.subcore_barrier()

    def start(j, b):
      pltpu.async_copy(tab.at[src_v.at[j]], rows.at[b], sems.at[b])

    def wait(j, b):
      pltpu.make_async_copy(tab.at[src_v.at[j]], rows.at[b],
                            sems.at[b]).wait()

    def scat(j, b):
      pltpu.sync_copy(rows.at[b], acc.at[dst_v.at[j]], add=True)

    start(0, 0)

    def body(i, carry):
      j = 2 * i
      start(j + 1, 1)
      wait(j, 0)
      scat(j, 0)

      @pl.when(j + 2 < T)
      def _():
        start(j + 2, 0)

      wait(j + 1, 1)
      scat(j + 1, 1)
      return carry

    lax.fori_loop(0, T // 2, body, 0)
    plsc.subcore_barrier()
    pltpu.sync_copy(acc.at[pl.ds(r0, RPT)], out.at[pl.ds(c * NP + r0, RPT)])

  return agg


def _make_deg():
  mesh = plsc.VectorSubcoreMesh(core_axis_name="c", subcore_axis_name="s")

  @functools.partial(
      pl.kernel,
      out_type=jax.ShapeDtypeStruct((2 * NP, 16), jnp.float32),
      mesh=mesh,
      compiler_params=pltpu.CompilerParams(use_tc_tiling_on_sc=False),
      scratch_types=[
          pltpu.VMEM((T // 2, K), jnp.int32),
          pltpu.VMEM((K, 16), jnp.float32),
          pltpu.VMEM_SHARED((NP, 16), jnp.float32),
      ],
  )
  def deg(dst32, ones_h, zer_h, out, dst_v, ones_v, acc):
    c = lax.axis_index("c")
    s = lax.axis_index("s")
    w = c * NSUB + s
    r0 = s * RPT
    pltpu.sync_copy(zer_h.at[pl.ds(r0, RPT)], acc.at[pl.ds(r0, RPT)])
    pltpu.sync_copy(dst32.at[w], dst_v)
    pltpu.sync_copy(ones_h, ones_v)
    plsc.subcore_barrier()

    def body(j, carry):
      pltpu.sync_copy(ones_v, acc.at[dst_v.at[j]], add=True)
      return carry

    lax.fori_loop(0, T // 2, body, 0)
    plsc.subcore_barrier()
    pltpu.sync_copy(acc.at[pl.ds(r0, RPT)], out.at[pl.ds(c * NP + r0, RPT)])

  return deg


_agg64 = _make_agg_fs(64)
_agg32 = _make_agg_fs(32)
_deg = _make_deg()

RB = 1280


def _pre_body(d_ref, x_ref, dinv_ref, xs_ref):
  deg = d_ref[0, :, 0:1] + d_ref[1, :, 0:1] + 1.0
  dinv = lax.rsqrt(deg)
  dinv_ref[...] = dinv
  xs_ref[0] = x_ref[:, :64] * dinv
  xs_ref[1] = x_ref[:, 64:] * dinv


def _mid_body(a_ref, dinv_ref, w1_ref, b1_ref, w2_ref, gs_ref):
  dv = dinv_ref[...]
  y0 = a_ref[0] * dv
  y1 = a_ref[1] * dv
  h = (jnp.dot(y0, w1_ref[:64, :], preferred_element_type=jnp.float32)
       + jnp.dot(y1, w1_ref[64:, :], preferred_element_type=jnp.float32)
       + b1_ref[...])
  h = jnp.maximum(h, 0.0)
  g = jnp.dot(h, w2_ref[...], preferred_element_type=jnp.float32) * dv
  row = (jax.lax.broadcasted_iota(jnp.int32, (RB, 1), 0)
         + pl.program_id(0) * RB)
  g = jnp.where(row < N_NODES, g, 0.0)
  gs_ref[0] = g[:, :32]
  gs_ref[1] = g[:, 32:]


def _fin_body(a_ref, dinv_ref, b2_ref, o_ref):
  dv = dinv_ref[...]
  l0 = a_ref[0] * dv + b2_ref[:, :32]
  l1 = a_ref[1] * dv + b2_ref[:, 32:]
  m = jnp.maximum(jnp.max(l0, axis=-1, keepdims=True),
                  jnp.max(l1, axis=-1, keepdims=True))
  lse = m + jnp.log(jnp.sum(jnp.exp(l0 - m), axis=-1, keepdims=True)
                    + jnp.sum(jnp.exp(l1 - m), axis=-1, keepdims=True))
  o_ref[:, :32] = l0 - lse
  o_ref[:, 32:] = l1 - lse


def kernel(x, edge_index, W1, b1, W2, b2):
  n = x.shape[0]
  e = edge_index.shape[1]
  src = edge_index[0]
  dst = edge_index[1]
  pad = EPAD - e
  src_p = jnp.concatenate([src, jnp.full((pad,), n, jnp.int32)])
  dst_p = jnp.concatenate([dst, jnp.arange(pad, dtype=jnp.int32) % n])
  dstd_p = jnp.concatenate([dst, n + jnp.arange(pad, dtype=jnp.int32)
                            % (NP - n)])
  src16 = src_p.reshape(NSUB, T, K)
  dst16 = dst_p.reshape(NSUB, T, K)
  srcfs = jnp.concatenate([src16, src16 + NP], axis=0)
  dst32 = dstd_p.reshape(2 * NSUB, T // 2, K)

  ones_h = jnp.zeros((K, 16), jnp.float32).at[:, 0].set(1.0)
  zer16 = jnp.zeros((NP, 16), jnp.float32)
  deg16 = _deg(dst32, ones_h, zer16).reshape(2, NP, 16)

  x_p = jnp.pad(x, ((0, NP - n), (0, 0)))
  nblk = NP // RB
  dinv, xs = pl.pallas_call(
      _pre_body,
      grid=(nblk,),
      in_specs=[
          pl.BlockSpec((2, RB, 16), lambda i: (0, i, 0)),
          pl.BlockSpec((RB, 128), lambda i: (i, 0)),
      ],
      out_specs=[
          pl.BlockSpec((RB, 1), lambda i: (i, 0)),
          pl.BlockSpec((2, RB, 64), lambda i: (0, i, 0)),
      ],
      out_shape=[
          jax.ShapeDtypeStruct((NP, 1), jnp.float32),
          jax.ShapeDtypeStruct((2, NP, 64), jnp.float32),
      ],
  )(deg16, x_p)

  agg1 = _agg64(xs.reshape(2 * NP, 64), srcfs, dst16).reshape(2, NP, 64)

  gs = pl.pallas_call(
      _mid_body,
      grid=(nblk,),
      in_specs=[
          pl.BlockSpec((2, RB, 64), lambda i: (0, i, 0)),
          pl.BlockSpec((RB, 1), lambda i: (i, 0)),
          pl.BlockSpec((128, 128), lambda i: (0, 0)),
          pl.BlockSpec((1, 128), lambda i: (0, 0)),
          pl.BlockSpec((128, 64), lambda i: (0, 0)),
      ],
      out_specs=pl.BlockSpec((2, RB, 32), lambda i: (0, i, 0)),
      out_shape=jax.ShapeDtypeStruct((2, NP, 32), jnp.float32),
  )(agg1, dinv, W1, b1.reshape(1, -1), W2)

  agg2 = _agg32(gs.reshape(2 * NP, 32), srcfs, dst16).reshape(2, NP, 32)

  out = pl.pallas_call(
      _fin_body,
      grid=(nblk,),
      in_specs=[
          pl.BlockSpec((2, RB, 32), lambda i: (0, i, 0)),
          pl.BlockSpec((RB, 1), lambda i: (i, 0)),
          pl.BlockSpec((1, 64), lambda i: (0, 0)),
      ],
      out_specs=pl.BlockSpec((RB, 64), lambda i: (i, 0)),
      out_shape=jax.ShapeDtypeStruct((n, W2.shape[1]), jnp.float32),
  )(agg2, dinv, b2.reshape(1, -1))
  return out

# --- scband reference (transcript-rebuilt; emitter-appended) ---
"""Pipeline reference for scband-gcn-12025908429355 (READ-ONLY COPY).

The authoritative reference and input builder live on the scoring server;
editing this copy changes nothing except your own understanding.
"""

import jax, jax.numpy as jnp
import numpy as np

N = 10000
E = 320000
D_IN = 128
D_HID = 128
D_OUT = 64


def gcn_conv(x, src, dst, W, b, n_nodes):
    # PyG-style GCNConv: symmetric normalization with self-loops already
    # appended to src/dst by the caller.
    deg = jnp.zeros((n_nodes,), dtype=x.dtype).at[dst].add(1.0)
    dinv = jnp.where(deg > 0, 1.0 / jnp.sqrt(deg), 0.0)
    norm = dinv[src] * dinv[dst]
    h = x @ W
    msg = h[src] * norm[:, None]
    out = jnp.zeros((n_nodes, W.shape[1]), dtype=x.dtype).at[dst].add(msg)
    return out + b


def setup_inputs(seed: int = 0):
    key = jax.random.key(seed)
    k1, k2, k3, k4 = jax.random.split(key, 4)
    x = jax.random.normal(k1, (N, D_IN), dtype=jnp.float32)
    edge_index = jax.random.randint(k2, (2, E), 0, N, dtype=jnp.int32)
    W1 = jax.random.normal(k3, (D_IN, D_HID), dtype=jnp.float32) * (1.0 / np.sqrt(D_IN))
    b1 = jnp.zeros((D_HID,), dtype=jnp.float32)
    W2 = jax.random.normal(k4, (D_HID, D_OUT), dtype=jnp.float32) * (1.0 / np.sqrt(D_HID))
    b2 = jnp.zeros((D_OUT,), dtype=jnp.float32)
    return {"x": x, "edge_index": edge_index, "W1": W1, "b1": b1, "W2": W2, "b2": b2}


def reference(x, edge_index, W1, b1, W2, b2):
    n_nodes = x.shape[0]
    loop = jnp.arange(n_nodes, dtype=edge_index.dtype)
    src = jnp.concatenate([edge_index[0], loop])
    dst = jnp.concatenate([edge_index[1], loop])
    h = jax.nn.relu(gcn_conv(x, src, dst, W1, b1, n_nodes))
    # dropout is identity in eval mode (training=False)
    logits = gcn_conv(h, src, dst, W2, b2, n_nodes)
    return jax.nn.log_softmax(logits, axis=-1)

if __name__ == "__main__":
    import jax
    _d = setup_inputs()
    print(jax.jit(kernel)(*tuple(_d.values())))

</pallas_src>

<mosaic_0001>
#map = affine_map<(d0, d1) -> (0, 0, 0)>
#map1 = affine_map<(d0, d1) -> (0, 0)>
module attributes {stable_mosaic.version = 14 : i64} {
  func.func @deg(%arg0: i32, %arg1: i32, %arg2: memref<32x79x128xi32, #tpu.memory_space<hbm>>, %arg3: memref<128x16xf32, #tpu.memory_space<hbm>>, %arg4: memref<10240x16xf32, #tpu.memory_space<hbm>>, %arg5: memref<20480x16xf32, #tpu.memory_space<hbm>>, %arg6: memref<79x128xi32, #tpu.memory_space<vmem>>, %arg7: memref<128x16xf32, #tpu.memory_space<vmem>>, %arg8: memref<10240x16xf32, #tpu.memory_space<vmem_shared>>) attributes {dimension_semantics = [#tpu.dimension_semantics<core_parallel>, #tpu.dimension_semantics<subcore_parallel>], iteration_bounds = array<i64: 2, 16>, scalar_prefetch = 0 : i64, scratch_operands = 3 : i64, tpu.core_type = #tpu.core_type<sc_vector_subcore>, window_params = [{transform_indices = #map}, {transform_indices = #map1}, {transform_indices = #map1}, {transform_indices = #map1}]} {
    %mul3A = arith.constant 16 : i32
    %mul3A_0 = arith.muli %arg0, %mul3A : i32
    %add3A = arith.addi %mul3A_0, %arg1 : i32
    %mul3A_1 = arith.constant 640 : i32
    %mul3A_2 = arith.muli %arg1, %mul3A_1 : i32
    "tpu.region"() ({
      %run_scoped3A = tpu.sem_alloc : memref<!tpu.dma_semaphore, #tpu.memory_space<semaphore_mem>>
      %dma_start3A = arith.constant 0 : i32
      %dma_start3A_12 = tpu.memref_slice %arg8[%mul3A_2, %dma_start3A] : memref<10240x16xf32, #tpu.memory_space<vmem_shared>> -> memref<640x16xf32, #tpu.memory_space<vmem_shared>>
      %dma_start3A_13 = arith.constant 0 : i32
      %dma_start3A_14 = tpu.memref_slice %arg4[%mul3A_2, %dma_start3A_13] : memref<10240x16xf32, #tpu.memory_space<hbm>> -> memref<640x16xf32, #tpu.memory_space<hbm>>
      tpu.enqueue_dma source(%dma_start3A_14 : memref<640x16xf32, #tpu.memory_space<hbm>>) target(%dma_start3A_12 : memref<640x16xf32, #tpu.memory_space<vmem_shared>>) target_semaphore(%run_scoped3A : memref<!tpu.dma_semaphore, #tpu.memory_space<semaphore_mem>>)
      %dma_wait3A = arith.constant 0 : i32
      %dma_wait3A_15 = tpu.memref_slice %arg8[%mul3A_2, %dma_wait3A] : memref<10240x16xf32, #tpu.memory_space<vmem_shared>> -> memref<640x16xf32, #tpu.memory_space<vmem_shared>>
      %dma_wait3A_16 = arith.constant 0 : i32
      %dma_wait3A_17 = tpu.memref_slice %arg4[%mul3A_2, %dma_wait3A_16] : memref<10240x16xf32, #tpu.memory_space<hbm>> -> memref<640x16xf32, #tpu.memory_space<hbm>>
      tpu.wait_dma2 semaphore(%run_scoped3A : memref<!tpu.dma_semaphore, #tpu.memory_space<semaphore_mem>>) src(%dma_wait3A_17 : memref<640x16xf32, #tpu.memory_space<hbm>>) dst(%dma_wait3A_15 : memref<640x16xf32, #tpu.memory_space<vmem_shared>>)
      tpu.yield
    }) : () -> ()
    "tpu.region"() ({
      %run_scoped3A = tpu.sem_alloc : memref<!tpu.dma_semaphore, #tpu.memory_space<semaphore_mem>>
      %dma_start3A = arith.constant 0 : i32
      %dma_start3A_12 = arith.constant 0 : i32
      %dma_start3A_13 = tpu.memref_slice %arg2[%add3A, %dma_start3A, %dma_start3A_12] : memref<32x79x128xi32, #tpu.memory_space<hbm>> -> memref<1x79x128xi32, #tpu.memory_space<hbm>>
      %dma_start3A_14 = tpu.memref_squeeze %dma_start3A_13 : memref<1x79x128xi32, #tpu.memory_space<hbm>> -> memref<79x128xi32, #tpu.memory_space<hbm>>
      %dma_start3A_15 = arith.constant 0 : i32
      %dma_start3A_16 = arith.constant 0 : i32
      %dma_start3A_17 = tpu.memref_slice %arg2[%add3A, %dma_start3A_15, %dma_start3A_16] : memref<32x79x128xi32, #tpu.memory_space<hbm>> -> memref<1x79x128xi32, #tpu.memory_space<hbm>>
      %dma_start3A_18 = tpu.memref_squeeze %dma_start3A_17 : memref<1x79x128xi32, #tpu.memory_space<hbm>> -> memref<79x128xi32, #tpu.memory_space<hbm>>
      tpu.enqueue_dma source(%dma_start3A_18 : memref<79x128xi32, #tpu.memory_space<hbm>>) target(%arg6 : memref<79x128xi32, #tpu.memory_space<vmem>>) target_semaphore(%run_scoped3A : memref<!tpu.dma_semaphore, #tpu.memory_space<semaphore_mem>>)
      %dma_wait3A = arith.constant 0 : i32
      %dma_wait3A_19 = arith.constant 0 : i32
      %dma_wait3A_20 = tpu.memref_slice %arg2[%add3A, %dma_wait3A, %dma_wait3A_19] : memref<32x79x128xi32, #tpu.memory_space<hbm>> -> memref<1x79x128xi32, #tpu.memory_space<hbm>>
      %dma_wait3A_21 = tpu.memref_squeeze %dma_wait3A_20 : memref<1x79x128xi32, #tpu.memory_space<hbm>> -> memref<79x128xi32, #tpu.memory_space<hbm>>
      %dma_wait3A_22 = arith.constant 0 : i32
      %dma_wait3A_23 = arith.constant 0 : i32
      %dma_wait3A_24 = tpu.memref_slice %arg2[%add3A, %dma_wait3A_22, %dma_wait3A_23] : memref<32x79x128xi32, #tpu.memory_space<hbm>> -> memref<1x79x128xi32, #tpu.memory_space<hbm>>
      %dma_wait3A_25 = tpu.memref_squeeze %dma_wait3A_24 : memref<1x79x128xi32, #tpu.memory_space<hbm>> -> memref<79x128xi32, #tpu.memory_space<hbm>>
      tpu.wait_dma2 semaphore(%run_scoped3A : memref<!tpu.dma_semaphore, #tpu.memory_space<semaphore_mem>>) src(%dma_wait3A_25 : memref<79x128xi32, #tpu.memory_space<hbm>>) dst(%arg6 : memref<79x128xi32, #tpu.memory_space<vmem>>)
      tpu.yield
    }) : () -> ()
    "tpu.region"() ({
      %run_scoped3A = tpu.sem_alloc : memref<!tpu.dma_semaphore, #tpu.memory_space<semaphore_mem>>
      tpu.enqueue_dma source(%arg3 : memref<128x16xf32, #tpu.memory_space<hbm>>) target(%arg7 : memref<128x16xf32, #tpu.memory_space<vmem>>) target_semaphore(%run_scoped3A : memref<!tpu.dma_semaphore, #tpu.memory_space<semaphore_mem>>)
      tpu.wait_dma2 semaphore(%run_scoped3A : memref<!tpu.dma_semaphore, #tpu.memory_space<semaphore_mem>>) src(%arg3 : memref<128x16xf32, #tpu.memory_space<hbm>>) dst(%arg7 : memref<128x16xf32, #tpu.memory_space<vmem>>)
      tpu.yield
    }) : () -> ()
    %barrier3A = arith.constant 0 : index
    tpu.barrier barrier_id(%barrier3A)
    %scan3A = arith.constant 0 : i32
    %scan3A_3 = arith.constant 0 : i32
    %scan3A_4 = arith.constant 79 : i32
    %scan3A_5 = arith.addi %scan3A_3, %scan3A_4 : i32
    %scan3A_6 = arith.constant 1 : i32
    scf.for %scan3A_12 = %scan3A_3 to %scan3A_5 step %scan3A_6  : i32 {
      "tpu.region"() ({
        %run_scoped3A = tpu.sem_alloc : memref<!tpu.dma_semaphore, #tpu.memory_space<semaphore_mem>>
        %dma_start3A = arith.constant 0 : i32
        %dma_start3A_13 = tpu.memref_slice %arg6[%scan3A_12, %dma_start3A] : memref<79x128xi32, #tpu.memory_space<vmem>> -> memref<1x128xi32, #tpu.memory_space<vmem>>
        %dma_start3A_14 = tpu.memref_squeeze %dma_start3A_13 : memref<1x128xi32, #tpu.memory_space<vmem>> -> memref<128xi32, #tpu.memory_space<vmem>>
        %dma_start3A_15 = arith.constant 0 : i32
        %dma_start3A_16 = arith.constant 0 : i32
        %dma_start3A_17 = tpu.memref_slice %arg8[%dma_start3A_15, %dma_start3A_16] : memref<10240x16xf32, #tpu.memory_space<vmem_shared>> -> memref<10240x16xf32, #tpu.memory_space<vmem_shared>>
        tpu.enqueue_indirect_dma source(%arg7 : memref<128x16xf32, #tpu.memory_space<vmem>>) target(%dma_start3A_17 : memref<10240x16xf32, #tpu.memory_space<vmem_shared>>) offsets(%dma_start3A_14 : memref<128xi32, #tpu.memory_space<vmem>>) semaphore(%run_scoped3A : memref<!tpu.dma_semaphore, #tpu.memory_space<semaphore_mem>>) {add = true}
        %dma_wait3A = arith.constant 0 : i32
        %dma_wait3A_18 = tpu.memref_slice %arg6[%scan3A_12, %dma_wait3A] : memref<79x128xi32, #tpu.memory_space<vmem>> -> memref<1x128xi32, #tpu.memory_space<vmem>>
        %dma_wait3A_19 = tpu.memref_squeeze %dma_wait3A_18 : memref<1x128xi32, #tpu.memory_space<vmem>> -> memref<128xi32, #tpu.memory_space<vmem>>
        %dma_wait3A_20 = arith.constant 0 : i32
        %dma_wait3A_21 = arith.constant 0 : i32
        %dma_wait3A_22 = tpu.memref_slice %arg8[%dma_wait3A_20, %dma_wait3A_21] : memref<10240x16xf32, #tpu.memory_space<vmem_shared>> -> memref<10240x16xf32, #tpu.memory_space<vmem_shared>>
        tpu.wait_indirect_dma semaphore(%run_scoped3A : memref<!tpu.dma_semaphore, #tpu.memory_space<semaphore_mem>>) src(%arg7 : memref<128x16xf32, #tpu.memory_space<vmem>>) dst(%dma_wait3A_22 : memref<10240x16xf32, #tpu.memory_space<vmem_shared>>)
        tpu.yield
      }) : () -> ()
    }
    %scan3A_7 = arith.constant 79 : i32
    %barrier3A_8 = arith.constant 0 : index
    tpu.barrier barrier_id(%barrier3A_8)
    %mul3A_9 = arith.constant 10240 : i32
    %mul3A_10 = arith.muli %arg0, %mul3A_9 : i32
    %add3A_11 = arith.addi %mul3A_10, %mul3A_2 : i32
    "tpu.region"() ({
      %run_scoped3A = tpu.sem_alloc : memref<!tpu.dma_semaphore, #tpu.memory_space<semaphore_mem>>
      %dma_start3A = arith.constant 0 : i32
      %dma_start3A_12 = tpu.memref_slice %arg5[%add3A_11, %dma_start3A] : memref<20480x16xf32, #tpu.memory_space<hbm>> -> memref<640x16xf32, #tpu.memory_space<hbm>>
      %dma_start3A_13 = arith.constant 0 : i32
      %dma_start3A_14 = tpu.memref_slice %arg8[%mul3A_2, %dma_start3A_13] : memref<10240x16xf32, #tpu.memory_space<vmem_shared>> -> memref<640x16xf32, #tpu.memory_space<vmem_shared>>
      tpu.enqueue_dma source(%dma_start3A_14 : memref<640x16xf32, #tpu.memory_space<vmem_shared>>) target(%dma_start3A_12 : memref<640x16xf32, #tpu.memory_space<hbm>>) target_semaphore(%run_scoped3A : memref<!tpu.dma_semaphore, #tpu.memory_space<semaphore_mem>>)
      %dma_wait3A = arith.constant 0 : i32
      %dma_wait3A_15 = tpu.memref_slice %arg5[%add3A_11, %dma_wait3A] : memref<20480x16xf32, #tpu.memory_space<hbm>> -> memref<640x16xf32, #tpu.memory_space<hbm>>
      %dma_wait3A_16 = arith.constant 0 : i32
      %dma_wait3A_17 = tpu.memref_slice %arg8[%mul3A_2, %dma_wait3A_16] : memref<10240x16xf32, #tpu.memory_space<vmem_shared>> -> memref<640x16xf32, #tpu.memory_space<vmem_shared>>
      tpu.wait_dma2 semaphore(%run_scoped3A : memref<!tpu.dma_semaphore, #tpu.memory_space<semaphore_mem>>) src(%dma_wait3A_17 : memref<640x16xf32, #tpu.memory_space<vmem_shared>>) dst(%dma_wait3A_15 : memref<640x16xf32, #tpu.memory_space<hbm>>)
      tpu.yield
    }) : () -> ()
    return
  }
}

#map = affine_map<(d0, d1) -> (0, 0)>
#map1 = affine_map<(d0, d1) -> (0, 0, 0)>
module attributes {stable_mosaic.version = 14 : i64} {
  func.func @agg(%arg0: i32, %arg1: i32, %arg2: memref<20480x32xf32, #tpu.memory_space<hbm>>, %arg3: memref<32x158x128xi32, #tpu.memory_space<hbm>>, %arg4: memref<16x158x128xi32, #tpu.memory_space<hbm>>, %arg5: memref<20480x32xf32, #tpu.memory_space<hbm>>, %arg6: memref<158x128xi32, #tpu.memory_space<vmem>>, %arg7: memref<158x128xi32, #tpu.memory_space<vmem>>, %arg8: memref<2x128x32xf32, #tpu.memory_space<vmem>>, %arg9: memref<10240x32xf32, #tpu.memory_space<vmem_shared>>, %arg10: memref<2x!tpu.dma_semaphore, #tpu.memory_space<semaphore_mem>>) attributes {dimension_semantics = [#tpu.dimension_semantics<core_parallel>, #tpu.dimension_semantics<subcore_parallel>], iteration_bounds = array<i64: 2, 16>, scalar_prefetch = 0 : i64, scratch_operands = 5 : i64, tpu.core_type = #tpu.core_type<sc_vector_subcore>, window_params = [{transform_indices = #map}, {transform_indices = #map1}, {transform_indices = #map1}, {transform_indices = #map}]} {
    %mul3A = arith.constant 16 : i32
    %mul3A_0 = arith.muli %arg0, %mul3A : i32
    %add3A = arith.addi %mul3A_0, %arg1 : i32
    %mul3A_1 = arith.constant 640 : i32
    %mul3A_2 = arith.muli %arg1, %mul3A_1 : i32
    %mul3A_3 = arith.constant 10240 : i32
    %mul3A_4 = arith.muli %arg0, %mul3A_3 : i32
    %add3A_5 = arith.addi %mul3A_4, %mul3A_2 : i32
    "tpu.region"() ({
      %run_scoped3A = tpu.sem_alloc : memref<!tpu.dma_semaphore, #tpu.memory_space<semaphore_mem>>
      %dma_start3A_29 = arith.constant 0 : i32
      %dma_start3A_30 = tpu.memref_slice %arg9[%mul3A_2, %dma_start3A_29] : memref<10240x32xf32, #tpu.memory_space<vmem_shared>> -> memref<640x32xf32, #tpu.memory_space<vmem_shared>>
      %dma_start3A_31 = arith.constant 0 : i32
      %dma_start3A_32 = tpu.memref_slice %arg2[%add3A_5, %dma_start3A_31] : memref<20480x32xf32, #tpu.memory_space<hbm>> -> memref<640x32xf32, #tpu.memory_space<hbm>>
      tpu.enqueue_dma source(%dma_start3A_32 : memref<640x32xf32, #tpu.memory_space<hbm>>) target(%dma_start3A_30 : memref<640x32xf32, #tpu.memory_space<vmem_shared>>) target_semaphore(%run_scoped3A : memref<!tpu.dma_semaphore, #tpu.memory_space<semaphore_mem>>)
      %dma_wait3A = arith.constant 0 : i32
      %dma_wait3A_33 = tpu.memref_slice %arg9[%mul3A_2, %dma_wait3A] : memref<10240x32xf32, #tpu.memory_space<vmem_shared>> -> memref<640x32xf32, #tpu.memory_space<vmem_shared>>
      %dma_wait3A_34 = arith.constant 0 : i32
      %dma_wait3A_35 = tpu.memref_slice %arg2[%add3A_5, %dma_wait3A_34] : memref<20480x32xf32, #tpu.memory_space<hbm>> -> memref<640x32xf32, #tpu.memory_space<hbm>>
      tpu.wait_dma2 semaphore(%run_scoped3A : memref<!tpu.dma_semaphore, #tpu.memory_space<semaphore_mem>>) src(%dma_wait3A_35 : memref<640x32xf32, #tpu.memory_space<hbm>>) dst(%dma_wait3A_33 : memref<640x32xf32, #tpu.memory_space<vmem_shared>>)
      tpu.yield
    }) : () -> ()
    "tpu.region"() ({
      %run_scoped3A = tpu.sem_alloc : memref<!tpu.dma_semaphore, #tpu.memory_space<semaphore_mem>>
      %dma_start3A_29 = arith.constant 0 : i32
      %dma_start3A_30 = arith.constant 0 : i32
      %dma_start3A_31 = tpu.memref_slice %arg3[%add3A, %dma_start3A_29, %dma_start3A_30] : memref<32x158x128xi32, #tpu.memory_space<hbm>> -> memref<1x158x128xi32, #tpu.memory_space<hbm>>
      %dma_start3A_32 = tpu.memref_squeeze %dma_start3A_31 : memref<1x158x128xi32, #tpu.memory_space<hbm>> -> memref<158x128xi32, #tpu.memory_space<hbm>>
      %dma_start3A_33 = arith.constant 0 : i32
      %dma_start3A_34 = arith.constant 0 : i32
      %dma_start3A_35 = tpu.memref_slice %arg3[%add3A, %dma_start3A_33, %dma_start3A_34] : memref<32x158x128xi32, #tpu.memory_space<hbm>> -> memref<1x158x128xi32, #tpu.memory_space<hbm>>
      %dma_start3A_36 = tpu.memref_squeeze %dma_start3A_35 : memref<1x158x128xi32, #tpu.memory_space<hbm>> -> memref<158x128xi32, #tpu.memory_space<hbm>>
      tpu.enqueue_dma source(%dma_start3A_36 : memref<158x128xi32, #tpu.memory_space<hbm>>) target(%arg6 : memref<158x128xi32, #tpu.memory_space<vmem>>) target_semaphore(%run_scoped3A : memref<!tpu.dma_semaphore, #tpu.memory_space<semaphore_mem>>)
      %dma_wait3A = arith.constant 0 : i32
      %dma_wait3A_37 = arith.constant 0 : i32
      %dma_wait3A_38 = tpu.memref_slice %arg3[%add3A, %dma_wait3A, %dma_wait3A_37] : memref<32x158x128xi32, #tpu.memory_space<hbm>> -> memref<1x158x128xi32, #tpu.memory_space<hbm>>
      %dma_wait3A_39 = tpu.memref_squeeze %dma_wait3A_38 : memref<1x158x128xi32, #tpu.memory_space<hbm>> -> memref<158x128xi32, #tpu.memory_space<hbm>>
      %dma_wait3A_40 = arith.constant 0 : i32
      %dma_wait3A_41 = arith.constant 0 : i32
      %dma_wait3A_42 = tpu.memref_slice %arg3[%add3A, %dma_wait3A_40, %dma_wait3A_41] : memref<32x158x128xi32, #tpu.memory_space<hbm>> -> memref<1x158x128xi32, #tpu.memory_space<hbm>>
      %dma_wait3A_43 = tpu.memref_squeeze %dma_wait3A_42 : memref<1x158x128xi32, #tpu.memory_space<hbm>> -> memref<158x128xi32, #tpu.memory_space<hbm>>
      tpu.wait_dma2 semaphore(%run_scoped3A : memref<!tpu.dma_semaphore, #tpu.memory_space<semaphore_mem>>) src(%dma_wait3A_43 : memref<158x128xi32, #tpu.memory_space<hbm>>) dst(%arg6 : memref<158x128xi32, #tpu.memory_space<vmem>>)
      tpu.yield
    }) : () -> ()
    "tpu.region"() ({
      %run_scoped3A = tpu.sem_alloc : memref<!tpu.dma_semaphore, #tpu.memory_space<semaphore_mem>>
      %dma_start3A_29 = arith.constant 0 : i32
      %dma_start3A_30 = arith.constant 0 : i32
      %dma_start3A_31 = tpu.memref_slice %arg4[%arg1, %dma_start3A_29, %dma_start3A_30] : memref<16x158x128xi32, #tpu.memory_space<hbm>> -> memref<1x158x128xi32, #tpu.memory_space<hbm>>
      %dma_start3A_32 = tpu.memref_squeeze %dma_start3A_31 : memref<1x158x128xi32, #tpu.memory_space<hbm>> -> memref<158x128xi32, #tpu.memory_space<hbm>>
      %dma_start3A_33 = arith.constant 0 : i32
      %dma_start3A_34 = arith.constant 0 : i32
      %dma_start3A_35 = tpu.memref_slice %arg4[%arg1, %dma_start3A_33, %dma_start3A_34] : memref<16x158x128xi32, #tpu.memory_space<hbm>> -> memref<1x158x128xi32, #tpu.memory_space<hbm>>
      %dma_start3A_36 = tpu.memref_squeeze %dma_start3A_35 : memref<1x158x128xi32, #tpu.memory_space<hbm>> -> memref<158x128xi32, #tpu.memory_space<hbm>>
      tpu.enqueue_dma source(%dma_start3A_36 : memref<158x128xi32, #tpu.memory_space<hbm>>) target(%arg7 : memref<158x128xi32, #tpu.memory_space<vmem>>) target_semaphore(%run_scoped3A : memref<!tpu.dma_semaphore, #tpu.memory_space<semaphore_mem>>)
      %dma_wait3A = arith.constant 0 : i32
      %dma_wait3A_37 = arith.constant 0 : i32
      %dma_wait3A_38 = tpu.memref_slice %arg4[%arg1, %dma_wait3A, %dma_wait3A_37] : memref<16x158x128xi32, #tpu.memory_space<hbm>> -> memref<1x158x128xi32, #tpu.memory_space<hbm>>
      %dma_wait3A_39 = tpu.memref_squeeze %dma_wait3A_38 : memref<1x158x128xi32, #tpu.memory_space<hbm>> -> memref<158x128xi32, #tpu.memory_space<hbm>>
      %dma_wait3A_40 = arith.constant 0 : i32
      %dma_wait3A_41 = arith.constant 0 : i32
      %dma_wait3A_42 = tpu.memref_slice %arg4[%arg1, %dma_wait3A_40, %dma_wait3A_41] : memref<16x158x128xi32, #tpu.memory_space<hbm>> -> memref<1x158x128xi32, #tpu.memory_space<hbm>>
      %dma_wait3A_43 = tpu.memref_squeeze %dma_wait3A_42 : memref<1x158x128xi32, #tpu.memory_space<hbm>> -> memref<158x128xi32, #tpu.memory_space<hbm>>
      tpu.wait_dma2 semaphore(%run_scoped3A : memref<!tpu.dma_semaphore, #tpu.memory_space<semaphore_mem>>) src(%dma_wait3A_43 : memref<158x128xi32, #tpu.memory_space<hbm>>) dst(%arg7 : memref<158x128xi32, #tpu.memory_space<vmem>>)
      tpu.yield
    }) : () -> ()
    %barrier3A = arith.constant 0 : index
    tpu.barrier barrier_id(%barrier3A)
    %dma_start3A = arith.constant 0 : i32
    %dma_start3A_6 = arith.constant 0 : i32
    %dma_start3A_7 = arith.constant 0 : i32
    %dma_start3A_8 = arith.constant 0 : i32
    %dma_start3A_9 = arith.constant 0 : i32
    %dma_start3A_10 = tpu.memref_slice %arg8[%dma_start3A_6, %dma_start3A_8, %dma_start3A_9] : memref<2x128x32xf32, #tpu.memory_space<vmem>> -> memref<1x128x32xf32, #tpu.memory_space<vmem>>
    %dma_start3A_11 = tpu.memref_squeeze %dma_start3A_10 : memref<1x128x32xf32, #tpu.memory_space<vmem>> -> memref<128x32xf32, #tpu.memory_space<vmem>>
    %dma_start3A_12 = arith.constant 0 : i32
    %dma_start3A_13 = tpu.memref_slice %arg6[%dma_start3A, %dma_start3A_12] : memref<158x128xi32, #tpu.memory_space<vmem>> -> memref<1x128xi32, #tpu.memory_space<vmem>>
    %dma_start3A_14 = tpu.memref_squeeze %dma_start3A_13 : memref<1x128xi32, #tpu.memory_space<vmem>> -> memref<128xi32, #tpu.memory_space<vmem>>
    %dma_start3A_15 = arith.constant 0 : i32
    %dma_start3A_16 = arith.constant 0 : i32
    %dma_start3A_17 = tpu.memref_slice %arg2[%dma_start3A_15, %dma_start3A_16] : memref<20480x32xf32, #tpu.memory_space<hbm>> -> memref<20480x32xf32, #tpu.memory_space<hbm>>
    %dma_start3A_18 = tpu.memref_slice %arg10[%dma_start3A_7] : memref<2x!tpu.dma_semaphore, #tpu.memory_space<semaphore_mem>> -> memref<1x!tpu.dma_semaphore, #tpu.memory_space<semaphore_mem>>
    %dma_start3A_19 = tpu.memref_squeeze %dma_start3A_18 : memref<1x!tpu.dma_semaphore, #tpu.memory_space<semaphore_mem>> -> memref<!tpu.dma_semaphore, #tpu.memory_space<semaphore_mem>>
    tpu.enqueue_indirect_dma source(%dma_start3A_17 : memref<20480x32xf32, #tpu.memory_space<hbm>>) target(%dma_start3A_11 : memref<128x32xf32, #tpu.memory_space<vmem>>) offsets(%dma_start3A_14 : memref<128xi32, #tpu.memory_space<vmem>>) semaphore(%dma_start3A_19 : memref<!tpu.dma_semaphore, #tpu.memory_space<semaphore_mem>>)
    %scan3A = arith.constant 0 : i32
    %scan3A_20 = arith.constant 0 : i32
    %scan3A_21 = arith.constant 79 : i32
    %scan3A_22 = arith.addi %scan3A_20, %scan3A_21 : i32
    %scan3A_23 = arith.constant 1 : i32
    scf.for %scan3A_29 = %scan3A_20 to %scan3A_22 step %scan3A_23  : i32 {
      %mul3A_30 = arith.constant 2 : i32
      %mul3A_31 = arith.muli %mul3A_30, %scan3A_29 : i32
      %add3A_32 = arith.constant 1 : i32
      %add3A_33 = arith.addi %mul3A_31, %add3A_32 : i32
      %dma_start3A_34 = arith.constant 1 : i32
      %dma_start3A_35 = arith.constant 1 : i32
      %dma_start3A_36 = arith.constant 0 : i32
      %dma_start3A_37 = arith.constant 0 : i32
      %dma_start3A_38 = tpu.memref_slice %arg8[%dma_start3A_34, %dma_start3A_36, %dma_start3A_37] : memref<2x128x32xf32, #tpu.memory_space<vmem>> -> memref<1x128x32xf32, #tpu.memory_space<vmem>>
      %dma_start3A_39 = tpu.memref_squeeze %dma_start3A_38 : memref<1x128x32xf32, #tpu.memory_space<vmem>> -> memref<128x32xf32, #tpu.memory_space<vmem>>
      %dma_start3A_40 = arith.constant 0 : i32
      %dma_start3A_41 = tpu.memref_slice %arg6[%add3A_33, %dma_start3A_40] : memref<158x128xi32, #tpu.memory_space<vmem>> -> memref<1x128xi32, #tpu.memory_space<vmem>>
      %dma_start3A_42 = tpu.memref_squeeze %dma_start3A_41 : memref<1x128xi32, #tpu.memory_space<vmem>> -> memref<128xi32, #tpu.memory_space<vmem>>
      %dma_start3A_43 = arith.constant 0 : i32
      %dma_start3A_44 = arith.constant 0 : i32
      %dma_start3A_45 = tpu.memref_slice %arg2[%dma_start3A_43, %dma_start3A_44] : memref<20480x32xf32, #tpu.memory_space<hbm>> -> memref<20480x32xf32, #tpu.memory_space<hbm>>
      %dma_start3A_46 = tpu.memref_slice %arg10[%dma_start3A_35] : memref<2x!tpu.dma_semaphore, #tpu.memory_space<semaphore_mem>> -> memref<1x!tpu.dma_semaphore, #tpu.memory_space<semaphore_mem>>
      %dma_start3A_47 = tpu.memref_squeeze %dma_start3A_46 : memref<1x!tpu.dma_semaphore, #tpu.memory_space<semaphore_mem>> -> memref<!tpu.dma_semaphore, #tpu.memory_space<semaphore_mem>>
      tpu.enqueue_indirect_dma source(%dma_start3A_45 : memref<20480x32xf32, #tpu.memory_space<hbm>>) target(%dma_start3A_39 : memref<128x32xf32, #tpu.memory_space<vmem>>) offsets(%dma_start3A_42 : memref<128xi32, #tpu.memory_space<vmem>>) semaphore(%dma_start3A_47 : memref<!tpu.dma_semaphore, #tpu.memory_space<semaphore_mem>>)
      %dma_wait3A = arith.constant 0 : i32
      %dma_wait3A_48 = arith.constant 0 : i32
      %dma_wait3A_49 = arith.constant 0 : i32
      %dma_wait3A_50 = arith.constant 0 : i32
      %dma_wait3A_51 = tpu.memref_slice %arg8[%dma_wait3A, %dma_wait3A_49, %dma_wait3A_50] : memref<2x128x32xf32, #tpu.memory_space<vmem>> -> memref<1x128x32xf32, #tpu.memory_space<vmem>>
      %dma_wait3A_52 = tpu.memref_squeeze %dma_wait3A_51 : memref<1x128x32xf32, #tpu.memory_space<vmem>> -> memref<128x32xf32, #tpu.memory_space<vmem>>
      %dma_wait3A_53 = arith.constant 0 : i32
      %dma_wait3A_54 = tpu.memref_slice %arg6[%mul3A_31, %dma_wait3A_53] : memref<158x128xi32, #tpu.memory_space<vmem>> -> memref<1x128xi32, #tpu.memory_space<vmem>>
      %dma_wait3A_55 = tpu.memref_squeeze %dma_wait3A_54 : memref<1x128xi32, #tpu.memory_space<vmem>> -> memref<128xi32, #tpu.memory_space<vmem>>
      %dma_wait3A_56 = arith.constant 0 : i32
      %dma_wait3A_57 = arith.constant 0 : i32
      %dma_wait3A_58 = tpu.memref_slice %arg2[%dma_wait3A_56, %dma_wait3A_57] : memref<20480x32xf32, #tpu.memory_space<hbm>> -> memref<20480x32xf32, #tpu.memory_space<hbm>>
      %dma_wait3A_59 = tpu.memref_slice %arg10[%dma_wait3A_48] : memref<2x!tpu.dma_semaphore, #tpu.memory_space<semaphore_mem>> -> memref<1x!tpu.dma_semaphore, #tpu.memory_space<semaphore_mem>>
      %dma_wait3A_60 = tpu.memref_squeeze %dma_wait3A_59 : memref<1x!tpu.dma_semaphore, #tpu.memory_space<semaphore_mem>> -> memref<!tpu.dma_semaphore, #tpu.memory_space<semaphore_mem>>
      tpu.wait_indirect_dma semaphore(%dma_wait3A_60 : memref<!tpu.dma_semaphore, #tpu.memory_space<semaphore_mem>>) src(%dma_wait3A_58 : memref<20480x32xf32, #tpu.memory_space<hbm>>) dst(%dma_wait3A_52 : memref<128x32xf32, #tpu.memory_space<vmem>>)
      %run_scoped3A = arith.constant 0 : i32
      "tpu.region"() ({
        %run_scoped3A_84 = tpu.sem_alloc : memref<!tpu.dma_semaphore, #tpu.memory_space<semaphore_mem>>
        %dma_start3A_85 = arith.constant 0 : i32
        %dma_start3A_86 = arith.constant 0 : i32
        %dma_start3A_87 = tpu.memref_slice %arg8[%run_scoped3A, %dma_start3A_85, %dma_start3A_86] : memref<2x128x32xf32, #tpu.memory_space<vmem>> -> memref<1x128x32xf32, #tpu.memory_space<vmem>>
        %dma_start3A_88 = tpu.memref_squeeze %dma_start3A_87 : memref<1x128x32xf32, #tpu.memory_space<vmem>> -> memref<128x32xf32, #tpu.memory_space<vmem>>
        %dma_start3A_89 = arith.constant 0 : i32
        %dma_start3A_90 = tpu.memref_slice %arg7[%mul3A_31, %dma_start3A_89] : memref<158x128xi32, #tpu.memory_space<vmem>> -> memref<1x128xi32, #tpu.memory_space<vmem>>
        %dma_start3A_91 = tpu.memref_squeeze %dma_start3A_90 : memref<1x128xi32, #tpu.memory_space<vmem>> -> memref<128xi32, #tpu.memory_space<vmem>>
        %dma_start3A_92 = arith.constant 0 : i32
        %dma_start3A_93 = arith.constant 0 : i32
        %dma_start3A_94 = tpu.memref_slice %arg9[%dma_start3A_92, %dma_start3A_93] : memref<10240x32xf32, #tpu.memory_space<vmem_shared>> -> memref<10240x32xf32, #tpu.memory_space<vmem_shared>>
        tpu.enqueue_indirect_dma source(%dma_start3A_88 : memref<128x32xf32, #tpu.memory_space<vmem>>) target(%dma_start3A_94 : memref<10240x32xf32, #tpu.memory_space<vmem_shared>>) offsets(%dma_start3A_91 : memref<128xi32, #tpu.memory_space<vmem>>) semaphore(%run_scoped3A_84 : memref<!tpu.dma_semaphore, #tpu.memory_space<semaphore_mem>>) {add = true}
        %dma_wait3A_95 = arith.constant 0 : i32
        %dma_wait3A_96 = arith.constant 0 : i32
        %dma_wait3A_97 = tpu.memref_slice %arg8[%run_scoped3A, %dma_wait3A_95, %dma_wait3A_96] : memref<2x128x32xf32, #tpu.memory_space<vmem>> -> memref<1x128x32xf32, #tpu.memory_space<vmem>>
        %dma_wait3A_98 = tpu.memref_squeeze %dma_wait3A_97 : memref<1x128x32xf32, #tpu.memory_space<vmem>> -> memref<128x32xf32, #tpu.memory_space<vmem>>
        %dma_wait3A_99 = arith.constant 0 : i32
        %dma_wait3A_100 = tpu.memref_slice %arg7[%mul3A_31, %dma_wait3A_99] : memref<158x128xi32, #tpu.memory_space<vmem>> -> memref<1x128xi32, #tpu.memory_space<vmem>>
        %dma_wait3A_101 = tpu.memref_squeeze %dma_wait3A_100 : memref<1x128xi32, #tpu.memory_space<vmem>> -> memref<128xi32, #tpu.memory_space<vmem>>
        %dma_wait3A_102 = arith.constant 0 : i32
        %dma_wait3A_103 = arith.constant 0 : i32
        %dma_wait3A_104 = tpu.memref_slice %arg9[%dma_wait3A_102, %dma_wait3A_103] : memref<10240x32xf32, #tpu.memory_space<vmem_shared>> -> memref<10240x32xf32, #tpu.memory_space<vmem_shared>>
        tpu.wait_indirect_dma semaphore(%run_scoped3A_84 : memref<!tpu.dma_semaphore, #tpu.memory_space<semaphore_mem>>) src(%dma_wait3A_98 : memref<128x32xf32, #tpu.memory_space<vmem>>) dst(%dma_wait3A_104 : memref<10240x32xf32, #tpu.memory_space<vmem_shared>>)
        tpu.yield
      }) : () -> ()
      %add3A_61 = arith.constant 2 : i32
      %add3A_62 = arith.addi %mul3A_31, %add3A_61 : i32
      %lt3A = arith.constant 158 : i32
      %lt3A_63 = arith.cmpi slt, %add3A_62, %lt3A : i32
      %convert_element_type3A = arith.extui %lt3A_63 : i1 to i32
      %cond3A = arith.constant 0 : i32
      %cond3A_64 = arith.cmpi ne, %convert_element_type3A, %cond3A : i32
      scf.if %cond3A_64 {
        %add3A_84 = arith.constant 2 : i32
        %add3A_85 = arith.addi %mul3A_31, %add3A_84 : i32
        %dma_start3A_86 = arith.constant 0 : i32
        %dma_start3A_87 = arith.constant 0 : i32
        %dma_start3A_88 = arith.constant 0 : i32
        %dma_start3A_89 = arith.constant 0 : i32
        %dma_start3A_90 = tpu.memref_slice %arg8[%dma_start3A_86, %dma_start3A_88, %dma_start3A_89] : memref<2x128x32xf32, #tpu.memory_space<vmem>> -> memref<1x128x32xf32, #tpu.memory_space<vmem>>
        %dma_start3A_91 = tpu.memref_squeeze %dma_start3A_90 : memref<1x128x32xf32, #tpu.memory_space<vmem>> -> memref<128x32xf32, #tpu.memory_space<vmem>>
        %dma_start3A_92 = arith.constant 0 : i32
        %dma_start3A_93 = tpu.memref_slice %arg6[%add3A_85, %dma_start3A_92] : memref<158x128xi32, #tpu.memory_space<vmem>> -> memref<1x128xi32, #tpu.memory_space<vmem>>
        %dma_start3A_94 = tpu.memref_squeeze %dma_start3A_93 : memref<1x128xi32, #tpu.memory_space<vmem>> -> memref<128xi32, #tpu.memory_space<vmem>>
        %dma_start3A_95 = arith.constant 0 : i32
        %dma_start3A_96 = arith.constant 0 : i32
        %dma_start3A_97 = tpu.memref_slice %arg2[%dma_start3A_95, %dma_start3A_96] : memref<20480x32xf32, #tpu.memory_space<hbm>> -> memref<20480x32xf32, #tpu.memory_space<hbm>>
        %dma_start3A_98 = tpu.memref_slice %arg10[%dma_start3A_87] : memref<2x!tpu.dma_semaphore, #tpu.memory_space<semaphore_mem>> -> memref<1x!tpu.dma_semaphore, #tpu.memory_space<semaphore_mem>>
        %dma_start3A_99 = tpu.memref_squeeze %dma_start3A_98 : memref<1x!tpu.dma_semaphore, #tpu.memory_space<semaphore_mem>> -> memref<!tpu.dma_semaphore, #tpu.memory_space<semaphore_mem>>
        tpu.enqueue_indirect_dma source(%dma_start3A_97 : memref<20480x32xf32, #tpu.memory_space<hbm>>) target(%dma_start3A_91 : memref<128x32xf32, #tpu.memory_space<vmem>>) offsets(%dma_start3A_94 : memref<128xi32, #tpu.memory_space<vmem>>) semaphore(%dma_start3A_99 : memref<!tpu.dma_semaphore, #tpu.memory_space<semaphore_mem>>)
      } else {
      }
      %add3A_65 = arith.constant 1 : i32
      %add3A_66 = arith.addi %mul3A_31, %add3A_65 : i32
      %dma_wait3A_67 = arith.constant 1 : i32
      %dma_wait3A_68 = arith.constant 1 : i32
      %dma_wait3A_69 = arith.constant 0 : i32
      %dma_wait3A_70 = arith.constant 0 : i32
      %dma_wait3A_71 = tpu.memref_slice %arg8[%dma_wait3A_67, %dma_wait3A_69, %dma_wait3A_70] : memref<2x128x32xf32, #tpu.memory_space<vmem>> -> memref<1x128x32xf32, #tpu.memory_space<vmem>>
      %dma_wait3A_72 = tpu.memref_squeeze %dma_wait3A_71 : memref<1x128x32xf32, #tpu.memory_space<vmem>> -> memref<128x32xf32, #tpu.memory_space<vmem>>
      %dma_wait3A_73 = arith.constant 0 : i32
      %dma_wait3A_74 = tpu.memref_slice %arg6[%add3A_66, %dma_wait3A_73] : memref<158x128xi32, #tpu.memory_space<vmem>> -> memref<1x128xi32, #tpu.memory_space<vmem>>
      %dma_wait3A_75 = tpu.memref_squeeze %dma_wait3A_74 : memref<1x128xi32, #tpu.memory_space<vmem>> -> memref<128xi32, #tpu.memory_space<vmem>>
      %dma_wait3A_76 = arith.constant 0 : i32
      %dma_wait3A_77 = arith.constant 0 : i32
      %dma_wait3A_78 = tpu.memref_slice %arg2[%dma_wait3A_76, %dma_wait3A_77] : memref<20480x32xf32, #tpu.memory_space<hbm>> -> memref<20480x32xf32, #tpu.memory_space<hbm>>
      %dma_wait3A_79 = tpu.memref_slice %arg10[%dma_wait3A_68] : memref<2x!tpu.dma_semaphore, #tpu.memory_space<semaphore_mem>> -> memref<1x!tpu.dma_semaphore, #tpu.memory_space<semaphore_mem>>
      %dma_wait3A_80 = tpu.memref_squeeze %dma_wait3A_79 : memref<1x!tpu.dma_semaphore, #tpu.memory_space<semaphore_mem>> -> memref<!tpu.dma_semaphore, #tpu.memory_space<semaphore_mem>>
      tpu.wait_indirect_dma semaphore(%dma_wait3A_80 : memref<!tpu.dma_semaphore, #tpu.memory_space<semaphore_mem>>) src(%dma_wait3A_78 : memref<20480x32xf32, #tpu.memory_space<hbm>>) dst(%dma_wait3A_72 : memref<128x32xf32, #tpu.memory_space<vmem>>)
      %add3A_81 = arith.constant 1 : i32
      %add3A_82 = arith.addi %mul3A_31, %add3A_81 : i32
      %run_scoped3A_83 = arith.constant 1 : i32
      "tpu.region"() ({
        %run_scoped3A_84 = tpu.sem_alloc : memref<!tpu.dma_semaphore, #tpu.memory_space<semaphore_mem>>
        %dma_start3A_85 = arith.constant 0 : i32
        %dma_start3A_86 = arith.constant 0 : i32
        %dma_start3A_87 = tpu.memref_slice %arg8[%run_scoped3A_83, %dma_start3A_85, %dma_start3A_86] : memref<2x128x32xf32, #tpu.memory_space<vmem>> -> memref<1x128x32xf32, #tpu.memory_space<vmem>>
        %dma_start3A_88 = tpu.memref_squeeze %dma_start3A_87 : memref<1x128x32xf32, #tpu.memory_space<vmem>> -> memref<128x32xf32, #tpu.memory_space<vmem>>
        %dma_start3A_89 = arith.constant 0 : i32
        %dma_start3A_90 = tpu.memref_slice %arg7[%add3A_82, %dma_start3A_89] : memref<158x128xi32, #tpu.memory_space<vmem>> -> memref<1x128xi32, #tpu.memory_space<vmem>>
        %dma_start3A_91 = tpu.memref_squeeze %dma_start3A_90 : memref<1x128xi32, #tpu.memory_space<vmem>> -> memref<128xi32, #tpu.memory_space<vmem>>
        %dma_start3A_92 = arith.constant 0 : i32
        %dma_start3A_93 = arith.constant 0 : i32
        %dma_start3A_94 = tpu.memref_slice %arg9[%dma_start3A_92, %dma_start3A_93] : memref<10240x32xf32, #tpu.memory_space<vmem_shared>> -> memref<10240x32xf32, #tpu.memory_space<vmem_shared>>
        tpu.enqueue_indirect_dma source(%dma_start3A_88 : memref<128x32xf32, #tpu.memory_space<vmem>>) target(%dma_start3A_94 : memref<10240x32xf32, #tpu.memory_space<vmem_shared>>) offsets(%dma_start3A_91 : memref<128xi32, #tpu.memory_space<vmem>>) semaphore(%run_scoped3A_84 : memref<!tpu.dma_semaphore, #tpu.memory_space<semaphore_mem>>) {add = true}
        %dma_wait3A_95 = arith.constant 0 : i32
        %dma_wait3A_96 = arith.constant 0 : i32
        %dma_wait3A_97 = tpu.memref_slice %arg8[%run_scoped3A_83, %dma_wait3A_95, %dma_wait3A_96] : memref<2x128x32xf32, #tpu.memory_space<vmem>> -> memref<1x128x32xf32, #tpu.memory_space<vmem>>
        %dma_wait3A_98 = tpu.memref_squeeze %dma_wait3A_97 : memref<1x128x32xf32, #tpu.memory_space<vmem>> -> memref<128x32xf32, #tpu.memory_space<vmem>>
        %dma_wait3A_99 = arith.constant 0 : i32
        %dma_wait3A_100 = tpu.memref_slice %arg7[%add3A_82, %dma_wait3A_99] : memref<158x128xi32, #tpu.memory_space<vmem>> -> memref<1x128xi32, #tpu.memory_space<vmem>>
        %dma_wait3A_101 = tpu.memref_squeeze %dma_wait3A_100 : memref<1x128xi32, #tpu.memory_space<vmem>> -> memref<128xi32, #tpu.memory_space<vmem>>
        %dma_wait3A_102 = arith.constant 0 : i32
        %dma_wait3A_103 = arith.constant 0 : i32
        %dma_wait3A_104 = tpu.memref_slice %arg9[%dma_wait3A_102, %dma_wait3A_103] : memref<10240x32xf32, #tpu.memory_space<vmem_shared>> -> memref<10240x32xf32, #tpu.memory_space<vmem_shared>>
        tpu.wait_indirect_dma semaphore(%run_scoped3A_84 : memref<!tpu.dma_semaphore, #tpu.memory_space<semaphore_mem>>) src(%dma_wait3A_98 : memref<128x32xf32, #tpu.memory_space<vmem>>) dst(%dma_wait3A_104 : memref<10240x32xf32, #tpu.memory_space<vmem_shared>>)
        tpu.yield
      }) : () -> ()
    }
    %scan3A_24 = arith.constant 79 : i32
    %barrier3A_25 = arith.constant 0 : index
    tpu.barrier barrier_id(%barrier3A_25)
    %mul3A_26 = arith.constant 10240 : i32
    %mul3A_27 = arith.muli %arg0, %mul3A_26 : i32
    %add3A_28 = arith.addi %mul3A_27, %mul3A_2 : i32
    "tpu.region"() ({
      %run_scoped3A = tpu.sem_alloc : memref<!tpu.dma_semaphore, #tpu.memory_space<semaphore_mem>>
      %dma_start3A_29 = arith.constant 0 : i32
      %dma_start3A_30 = tpu.memref_slice %arg5[%add3A_28, %dma_start3A_29] : memref<20480x32xf32, #tpu.memory_space<hbm>> -> memref<640x32xf32, #tpu.memory_space<hbm>>
      %dma_start3A_31 = arith.constant 0 : i32
      %dma_start3A_32 = tpu.memref_slice %arg9[%mul3A_2, %dma_start3A_31] : memref<10240x32xf32, #tpu.memory_space<vmem_shared>> -> memref<640x32xf32, #tpu.memory_space<vmem_shared>>
      tpu.enqueue_dma source(%dma_start3A_32 : memref<640x32xf32, #tpu.memory_space<vmem_shared>>) target(%dma_start3A_30 : memref<640x32xf32, #tpu.memory_space<hbm>>) target_semaphore(%run_scoped3A : memref<!tpu.dma_semaphore, #tpu.memory_space<semaphore_mem>>)
      %dma_wait3A = arith.constant 0 : i32
      %dma_wait3A_33 = tpu.memref_slice %arg5[%add3A_28, %dma_wait3A] : memref<20480x32xf32, #tpu.memory_space<hbm>> -> memref<640x32xf32, #tpu.memory_space<hbm>>
      %dma_wait3A_34 = arith.constant 0 : i32
      %dma_wait3A_35 = tpu.memref_slice %arg9[%mul3A_2, %dma_wait3A_34] : memref<10240x32xf32, #tpu.memory_space<vmem_shared>> -> memref<640x32xf32, #tpu.memory_space<vmem_shared>>
      tpu.wait_dma2 semaphore(%run_scoped3A : memref<!tpu.dma_semaphore, #tpu.memory_space<semaphore_mem>>) src(%dma_wait3A_35 : memref<640x32xf32, #tpu.memory_space<vmem_shared>>) dst(%dma_wait3A_33 : memref<640x32xf32, #tpu.memory_space<hbm>>)
      tpu.yield
    }) : () -> ()
    return
  }
}

#map = affine_map<(d0, d1) -> (0, 0)>
#map1 = affine_map<(d0, d1) -> (0, 0, 0)>
module attributes {stable_mosaic.version = 14 : i64} {
  func.func @agg(%arg0: i32, %arg1: i32, %arg2: memref<20480x64xf32, #tpu.memory_space<hbm>>, %arg3: memref<32x158x128xi32, #tpu.memory_space<hbm>>, %arg4: memref<16x158x128xi32, #tpu.memory_space<hbm>>, %arg5: memref<20480x64xf32, #tpu.memory_space<hbm>>, %arg6: memref<158x128xi32, #tpu.memory_space<vmem>>, %arg7: memref<158x128xi32, #tpu.memory_space<vmem>>, %arg8: memref<2x128x64xf32, #tpu.memory_space<vmem>>, %arg9: memref<10240x64xf32, #tpu.memory_space<vmem_shared>>, %arg10: memref<2x!tpu.dma_semaphore, #tpu.memory_space<semaphore_mem>>) attributes {dimension_semantics = [#tpu.dimension_semantics<core_parallel>, #tpu.dimension_semantics<subcore_parallel>], iteration_bounds = array<i64: 2, 16>, scalar_prefetch = 0 : i64, scratch_operands = 5 : i64, tpu.core_type = #tpu.core_type<sc_vector_subcore>, window_params = [{transform_indices = #map}, {transform_indices = #map1}, {transform_indices = #map1}, {transform_indices = #map}]} {
    %mul3A = arith.constant 16 : i32
    %mul3A_0 = arith.muli %arg0, %mul3A : i32
    %add3A = arith.addi %mul3A_0, %arg1 : i32
    %mul3A_1 = arith.constant 640 : i32
    %mul3A_2 = arith.muli %arg1, %mul3A_1 : i32
    %mul3A_3 = arith.constant 10240 : i32
    %mul3A_4 = arith.muli %arg0, %mul3A_3 : i32
    %add3A_5 = arith.addi %mul3A_4, %mul3A_2 : i32
    "tpu.region"() ({
      %run_scoped3A = tpu.sem_alloc : memref<!tpu.dma_semaphore, #tpu.memory_space<semaphore_mem>>
      %dma_start3A_29 = arith.constant 0 : i32
      %dma_start3A_30 = tpu.memref_slice %arg9[%mul3A_2, %dma_start3A_29] : memref<10240x64xf32, #tpu.memory_space<vmem_shared>> -> memref<640x64xf32, #tpu.memory_space<vmem_shared>>
      %dma_start3A_31 = arith.constant 0 : i32
      %dma_start3A_32 = tpu.memref_slice %arg2[%add3A_5, %dma_start3A_31] : memref<20480x64xf32, #tpu.memory_space<hbm>> -> memref<640x64xf32, #tpu.memory_space<hbm>>
      tpu.enqueue_dma source(%dma_start3A_32 : memref<640x64xf32, #tpu.memory_space<hbm>>) target(%dma_start3A_30 : memref<640x64xf32, #tpu.memory_space<vmem_shared>>) target_semaphore(%run_scoped3A : memref<!tpu.dma_semaphore, #tpu.memory_space<semaphore_mem>>)
      %dma_wait3A = arith.constant 0 : i32
      %dma_wait3A_33 = tpu.memref_slice %arg9[%mul3A_2, %dma_wait3A] : memref<10240x64xf32, #tpu.memory_space<vmem_shared>> -> memref<640x64xf32, #tpu.memory_space<vmem_shared>>
      %dma_wait3A_34 = arith.constant 0 : i32
      %dma_wait3A_35 = tpu.memref_slice %arg2[%add3A_5, %dma_wait3A_34] : memref<20480x64xf32, #tpu.memory_space<hbm>> -> memref<640x64xf32, #tpu.memory_space<hbm>>
      tpu.wait_dma2 semaphore(%run_scoped3A : memref<!tpu.dma_semaphore, #tpu.memory_space<semaphore_mem>>) src(%dma_wait3A_35 : memref<640x64xf32, #tpu.memory_space<hbm>>) dst(%dma_wait3A_33 : memref<640x64xf32, #tpu.memory_space<vmem_shared>>)
      tpu.yield
    }) : () -> ()
    "tpu.region"() ({
      %run_scoped3A = tpu.sem_alloc : memref<!tpu.dma_semaphore, #tpu.memory_space<semaphore_mem>>
      %dma_start3A_29 = arith.constant 0 : i32
      %dma_start3A_30 = arith.constant 0 : i32
      %dma_start3A_31 = tpu.memref_slice %arg3[%add3A, %dma_start3A_29, %dma_start3A_30] : memref<32x158x128xi32, #tpu.memory_space<hbm>> -> memref<1x158x128xi32, #tpu.memory_space<hbm>>
      %dma_start3A_32 = tpu.memref_squeeze %dma_start3A_31 : memref<1x158x128xi32, #tpu.memory_space<hbm>> -> memref<158x128xi32, #tpu.memory_space<hbm>>
      %dma_start3A_33 = arith.constant 0 : i32
      %dma_start3A_34 = arith.constant 0 : i32
      %dma_start3A_35 = tpu.memref_slice %arg3[%add3A, %dma_start3A_33, %dma_start3A_34] : memref<32x158x128xi32, #tpu.memory_space<hbm>> -> memref<1x158x128xi32, #tpu.memory_space<hbm>>
      %dma_start3A_36 = tpu.memref_squeeze %dma_start3A_35 : memref<1x158x128xi32, #tpu.memory_space<hbm>> -> memref<158x128xi32, #tpu.memory_space<hbm>>
      tpu.enqueue_dma source(%dma_start3A_36 : memref<158x128xi32, #tpu.memory_space<hbm>>) target(%arg6 : memref<158x128xi32, #tpu.memory_space<vmem>>) target_semaphore(%run_scoped3A : memref<!tpu.dma_semaphore, #tpu.memory_space<semaphore_mem>>)
      %dma_wait3A = arith.constant 0 : i32
      %dma_wait3A_37 = arith.constant 0 : i32
      %dma_wait3A_38 = tpu.memref_slice %arg3[%add3A, %dma_wait3A, %dma_wait3A_37] : memref<32x158x128xi32, #tpu.memory_space<hbm>> -> memref<1x158x128xi32, #tpu.memory_space<hbm>>
      %dma_wait3A_39 = tpu.memref_squeeze %dma_wait3A_38 : memref<1x158x128xi32, #tpu.memory_space<hbm>> -> memref<158x128xi32, #tpu.memory_space<hbm>>
      %dma_wait3A_40 = arith.constant 0 : i32
      %dma_wait3A_41 = arith.constant 0 : i32
      %dma_wait3A_42 = tpu.memref_slice %arg3[%add3A, %dma_wait3A_40, %dma_wait3A_41] : memref<32x158x128xi32, #tpu.memory_space<hbm>> -> memref<1x158x128xi32, #tpu.memory_space<hbm>>
      %dma_wait3A_43 = tpu.memref_squeeze %dma_wait3A_42 : memref<1x158x128xi32, #tpu.memory_space<hbm>> -> memref<158x128xi32, #tpu.memory_space<hbm>>
      tpu.wait_dma2 semaphore(%run_scoped3A : memref<!tpu.dma_semaphore, #tpu.memory_space<semaphore_mem>>) src(%dma_wait3A_43 : memref<158x128xi32, #tpu.memory_space<hbm>>) dst(%arg6 : memref<158x128xi32, #tpu.memory_space<vmem>>)
      tpu.yield
    }) : () -> ()
    "tpu.region"() ({
      %run_scoped3A = tpu.sem_alloc : memref<!tpu.dma_semaphore, #tpu.memory_space<semaphore_mem>>
      %dma_start3A_29 = arith.constant 0 : i32
      %dma_start3A_30 = arith.constant 0 : i32
      %dma_start3A_31 = tpu.memref_slice %arg4[%arg1, %dma_start3A_29, %dma_start3A_30] : memref<16x158x128xi32, #tpu.memory_space<hbm>> -> memref<1x158x128xi32, #tpu.memory_space<hbm>>
      %dma_start3A_32 = tpu.memref_squeeze %dma_start3A_31 : memref<1x158x128xi32, #tpu.memory_space<hbm>> -> memref<158x128xi32, #tpu.memory_space<hbm>>
      %dma_start3A_33 = arith.constant 0 : i32
      %dma_start3A_34 = arith.constant 0 : i32
      %dma_start3A_35 = tpu.memref_slice %arg4[%arg1, %dma_start3A_33, %dma_start3A_34] : memref<16x158x128xi32, #tpu.memory_space<hbm>> -> memref<1x158x128xi32, #tpu.memory_space<hbm>>
      %dma_start3A_36 = tpu.memref_squeeze %dma_start3A_35 : memref<1x158x128xi32, #tpu.memory_space<hbm>> -> memref<158x128xi32, #tpu.memory_space<hbm>>
      tpu.enqueue_dma source(%dma_start3A_36 : memref<158x128xi32, #tpu.memory_space<hbm>>) target(%arg7 : memref<158x128xi32, #tpu.memory_space<vmem>>) target_semaphore(%run_scoped3A : memref<!tpu.dma_semaphore, #tpu.memory_space<semaphore_mem>>)
      %dma_wait3A = arith.constant 0 : i32
      %dma_wait3A_37 = arith.constant 0 : i32
      %dma_wait3A_38 = tpu.memref_slice %arg4[%arg1, %dma_wait3A, %dma_wait3A_37] : memref<16x158x128xi32, #tpu.memory_space<hbm>> -> memref<1x158x128xi32, #tpu.memory_space<hbm>>
      %dma_wait3A_39 = tpu.memref_squeeze %dma_wait3A_38 : memref<1x158x128xi32, #tpu.memory_space<hbm>> -> memref<158x128xi32, #tpu.memory_space<hbm>>
      %dma_wait3A_40 = arith.constant 0 : i32
      %dma_wait3A_41 = arith.constant 0 : i32
      %dma_wait3A_42 = tpu.memref_slice %arg4[%arg1, %dma_wait3A_40, %dma_wait3A_41] : memref<16x158x128xi32, #tpu.memory_space<hbm>> -> memref<1x158x128xi32, #tpu.memory_space<hbm>>
      %dma_wait3A_43 = tpu.memref_squeeze %dma_wait3A_42 : memref<1x158x128xi32, #tpu.memory_space<hbm>> -> memref<158x128xi32, #tpu.memory_space<hbm>>
      tpu.wait_dma2 semaphore(%run_scoped3A : memref<!tpu.dma_semaphore, #tpu.memory_space<semaphore_mem>>) src(%dma_wait3A_43 : memref<158x128xi32, #tpu.memory_space<hbm>>) dst(%arg7 : memref<158x128xi32, #tpu.memory_space<vmem>>)
      tpu.yield
    }) : () -> ()
    %barrier3A = arith.constant 0 : index
    tpu.barrier barrier_id(%barrier3A)
    %dma_start3A = arith.constant 0 : i32
    %dma_start3A_6 = arith.constant 0 : i32
    %dma_start3A_7 = arith.constant 0 : i32
    %dma_start3A_8 = arith.constant 0 : i32
    %dma_start3A_9 = arith.constant 0 : i32
    %dma_start3A_10 = tpu.memref_slice %arg8[%dma_start3A_6, %dma_start3A_8, %dma_start3A_9] : memref<2x128x64xf32, #tpu.memory_space<vmem>> -> memref<1x128x64xf32, #tpu.memory_space<vmem>>
    %dma_start3A_11 = tpu.memref_squeeze %dma_start3A_10 : memref<1x128x64xf32, #tpu.memory_space<vmem>> -> memref<128x64xf32, #tpu.memory_space<vmem>>
    %dma_start3A_12 = arith.constant 0 : i32
    %dma_start3A_13 = tpu.memref_slice %arg6[%dma_start3A, %dma_start3A_12] : memref<158x128xi32, #tpu.memory_space<vmem>> -> memref<1x128xi32, #tpu.memory_space<vmem>>
    %dma_start3A_14 = tpu.memref_squeeze %dma_start3A_13 : memref<1x128xi32, #tpu.memory_space<vmem>> -> memref<128xi32, #tpu.memory_space<vmem>>
    %dma_start3A_15 = arith.constant 0 : i32
    %dma_start3A_16 = arith.constant 0 : i32
    %dma_start3A_17 = tpu.memref_slice %arg2[%dma_start3A_15, %dma_start3A_16] : memref<20480x64xf32, #tpu.memory_space<hbm>> -> memref<20480x64xf32, #tpu.memory_space<hbm>>
    %dma_start3A_18 = tpu.memref_slice %arg10[%dma_start3A_7] : memref<2x!tpu.dma_semaphore, #tpu.memory_space<semaphore_mem>> -> memref<1x!tpu.dma_semaphore, #tpu.memory_space<semaphore_mem>>
    %dma_start3A_19 = tpu.memref_squeeze %dma_start3A_18 : memref<1x!tpu.dma_semaphore, #tpu.memory_space<semaphore_mem>> -> memref<!tpu.dma_semaphore, #tpu.memory_space<semaphore_mem>>
    tpu.enqueue_indirect_dma source(%dma_start3A_17 : memref<20480x64xf32, #tpu.memory_space<hbm>>) target(%dma_start3A_11 : memref<128x64xf32, #tpu.memory_space<vmem>>) offsets(%dma_start3A_14 : memref<128xi32, #tpu.memory_space<vmem>>) semaphore(%dma_start3A_19 : memref<!tpu.dma_semaphore, #tpu.memory_space<semaphore_mem>>)
    %scan3A = arith.constant 0 : i32
    %scan3A_20 = arith.constant 0 : i32
    %scan3A_21 = arith.constant 79 : i32
    %scan3A_22 = arith.addi %scan3A_20, %scan3A_21 : i32
    %scan3A_23 = arith.constant 1 : i32
    scf.for %scan3A_29 = %scan3A_20 to %scan3A_22 step %scan3A_23  : i32 {
      %mul3A_30 = arith.constant 2 : i32
      %mul3A_31 = arith.muli %mul3A_30, %scan3A_29 : i32
      %add3A_32 = arith.constant 1 : i32
      %add3A_33 = arith.addi %mul3A_31, %add3A_32 : i32
      %dma_start3A_34 = arith.constant 1 : i32
      %dma_start3A_35 = arith.constant 1 : i32
      %dma_start3A_36 = arith.constant 0 : i32
      %dma_start3A_37 = arith.constant 0 : i32
      %dma_start3A_38 = tpu.memref_slice %arg8[%dma_start3A_34, %dma_start3A_36, %dma_start3A_37] : memref<2x128x64xf32, #tpu.memory_space<vmem>> -> memref<1x128x64xf32, #tpu.memory_space<vmem>>
      %dma_start3A_39 = tpu.memref_squeeze %dma_start3A_38 : memref<1x128x64xf32, #tpu.memory_space<vmem>> -> memref<128x64xf32, #tpu.memory_space<vmem>>
      %dma_start3A_40 = arith.constant 0 : i32
      %dma_start3A_41 = tpu.memref_slice %arg6[%add3A_33, %dma_start3A_40] : memref<158x128xi32, #tpu.memory_space<vmem>> -> memref<1x128xi32, #tpu.memory_space<vmem>>
      %dma_start3A_42 = tpu.memref_squeeze %dma_start3A_41 : memref<1x128xi32, #tpu.memory_space<vmem>> -> memref<128xi32, #tpu.memory_space<vmem>>
      %dma_start3A_43 = arith.constant 0 : i32
      %dma_start3A_44 = arith.constant 0 : i32
      %dma_start3A_45 = tpu.memref_slice %arg2[%dma_start3A_43, %dma_start3A_44] : memref<20480x64xf32, #tpu.memory_space<hbm>> -> memref<20480x64xf32, #tpu.memory_space<hbm>>
      %dma_start3A_46 = tpu.memref_slice %arg10[%dma_start3A_35] : memref<2x!tpu.dma_semaphore, #tpu.memory_space<semaphore_mem>> -> memref<1x!tpu.dma_semaphore, #tpu.memory_space<semaphore_mem>>
      %dma_start3A_47 = tpu.memref_squeeze %dma_start3A_46 : memref<1x!tpu.dma_semaphore, #tpu.memory_space<semaphore_mem>> -> memref<!tpu.dma_semaphore, #tpu.memory_space<semaphore_mem>>
      tpu.enqueue_indirect_dma source(%dma_start3A_45 : memref<20480x64xf32, #tpu.memory_space<hbm>>) target(%dma_start3A_39 : memref<128x64xf32, #tpu.memory_space<vmem>>) offsets(%dma_start3A_42 : memref<128xi32, #tpu.memory_space<vmem>>) semaphore(%dma_start3A_47 : memref<!tpu.dma_semaphore, #tpu.memory_space<semaphore_mem>>)
      %dma_wait3A = arith.constant 0 : i32
      %dma_wait3A_48 = arith.constant 0 : i32
      %dma_wait3A_49 = arith.constant 0 : i32
      %dma_wait3A_50 = arith.constant 0 : i32
      %dma_wait3A_51 = tpu.memref_slice %arg8[%dma_wait3A, %dma_wait3A_49, %dma_wait3A_50] : memref<2x128x64xf32, #tpu.memory_space<vmem>> -> memref<1x128x64xf32, #tpu.memory_space<vmem>>
      %dma_wait3A_52 = tpu.memref_squeeze %dma_wait3A_51 : memref<1x128x64xf32, #tpu.memory_space<vmem>> -> memref<128x64xf32, #tpu.memory_space<vmem>>
      %dma_wait3A_53 = arith.constant 0 : i32
      %dma_wait3A_54 = tpu.memref_slice %arg6[%mul3A_31, %dma_wait3A_53] : memref<158x128xi32, #tpu.memory_space<vmem>> -> memref<1x128xi32, #tpu.memory_space<vmem>>
      %dma_wait3A_55 = tpu.memref_squeeze %dma_wait3A_54 : memref<1x128xi32, #tpu.memory_space<vmem>> -> memref<128xi32, #tpu.memory_space<vmem>>
      %dma_wait3A_56 = arith.constant 0 : i32
      %dma_wait3A_57 = arith.constant 0 : i32
      %dma_wait3A_58 = tpu.memref_slice %arg2[%dma_wait3A_56, %dma_wait3A_57] : memref<20480x64xf32, #tpu.memory_space<hbm>> -> memref<20480x64xf32, #tpu.memory_space<hbm>>
      %dma_wait3A_59 = tpu.memref_slice %arg10[%dma_wait3A_48] : memref<2x!tpu.dma_semaphore, #tpu.memory_space<semaphore_mem>> -> memref<1x!tpu.dma_semaphore, #tpu.memory_space<semaphore_mem>>
      %dma_wait3A_60 = tpu.memref_squeeze %dma_wait3A_59 : memref<1x!tpu.dma_semaphore, #tpu.memory_space<semaphore_mem>> -> memref<!tpu.dma_semaphore, #tpu.memory_space<semaphore_mem>>
      tpu.wait_indirect_dma semaphore(%dma_wait3A_60 : memref<!tpu.dma_semaphore, #tpu.memory_space<semaphore_mem>>) src(%dma_wait3A_58 : memref<20480x64xf32, #tpu.memory_space<hbm>>) dst(%dma_wait3A_52 : memref<128x64xf32, #tpu.memory_space<vmem>>)
      %run_scoped3A = arith.constant 0 : i32
      "tpu.region"() ({
        %run_scoped3A_84 = tpu.sem_alloc : memref<!tpu.dma_semaphore, #tpu.memory_space<semaphore_mem>>
        %dma_start3A_85 = arith.constant 0 : i32
        %dma_start3A_86 = arith.constant 0 : i32
        %dma_start3A_87 = tpu.memref_slice %arg8[%run_scoped3A, %dma_start3A_85, %dma_start3A_86] : memref<2x128x64xf32, #tpu.memory_space<vmem>> -> memref<1x128x64xf32, #tpu.memory_space<vmem>>
        %dma_start3A_88 = tpu.memref_squeeze %dma_start3A_87 : memref<1x128x64xf32, #tpu.memory_space<vmem>> -> memref<128x64xf32, #tpu.memory_space<vmem>>
        %dma_start3A_89 = arith.constant 0 : i32
        %dma_start3A_90 = tpu.memref_slice %arg7[%mul3A_31, %dma_start3A_89] : memref<158x128xi32, #tpu.memory_space<vmem>> -> memref<1x128xi32, #tpu.memory_space<vmem>>
        %dma_start3A_91 = tpu.memref_squeeze %dma_start3A_90 : memref<1x128xi32, #tpu.memory_space<vmem>> -> memref<128xi32, #tpu.memory_space<vmem>>
        %dma_start3A_92 = arith.constant 0 : i32
        %dma_start3A_93 = arith.constant 0 : i32
        %dma_start3A_94 = tpu.memref_slice %arg9[%dma_start3A_92, %dma_start3A_93] : memref<10240x64xf32, #tpu.memory_space<vmem_shared>> -> memref<10240x64xf32, #tpu.memory_space<vmem_shared>>
        tpu.enqueue_indirect_dma source(%dma_start3A_88 : memref<128x64xf32, #tpu.memory_space<vmem>>) target(%dma_start3A_94 : memref<10240x64xf32, #tpu.memory_space<vmem_shared>>) offsets(%dma_start3A_91 : memref<128xi32, #tpu.memory_space<vmem>>) semaphore(%run_scoped3A_84 : memref<!tpu.dma_semaphore, #tpu.memory_space<semaphore_mem>>) {add = true}
        %dma_wait3A_95 = arith.constant 0 : i32
        %dma_wait3A_96 = arith.constant 0 : i32
        %dma_wait3A_97 = tpu.memref_slice %arg8[%run_scoped3A, %dma_wait3A_95, %dma_wait3A_96] : memref<2x128x64xf32, #tpu.memory_space<vmem>> -> memref<1x128x64xf32, #tpu.memory_space<vmem>>
        %dma_wait3A_98 = tpu.memref_squeeze %dma_wait3A_97 : memref<1x128x64xf32, #tpu.memory_space<vmem>> -> memref<128x64xf32, #tpu.memory_space<vmem>>
        %dma_wait3A_99 = arith.constant 0 : i32
        %dma_wait3A_100 = tpu.memref_slice %arg7[%mul3A_31, %dma_wait3A_99] : memref<158x128xi32, #tpu.memory_space<vmem>> -> memref<1x128xi32, #tpu.memory_space<vmem>>
        %dma_wait3A_101 = tpu.memref_squeeze %dma_wait3A_100 : memref<1x128xi32, #tpu.memory_space<vmem>> -> memref<128xi32, #tpu.memory_space<vmem>>
        %dma_wait3A_102 = arith.constant 0 : i32
        %dma_wait3A_103 = arith.constant 0 : i32
        %dma_wait3A_104 = tpu.memref_slice %arg9[%dma_wait3A_102, %dma_wait3A_103] : memref<10240x64xf32, #tpu.memory_space<vmem_shared>> -> memref<10240x64xf32, #tpu.memory_space<vmem_shared>>
        tpu.wait_indirect_dma semaphore(%run_scoped3A_84 : memref<!tpu.dma_semaphore, #tpu.memory_space<semaphore_mem>>) src(%dma_wait3A_98 : memref<128x64xf32, #tpu.memory_space<vmem>>) dst(%dma_wait3A_104 : memref<10240x64xf32, #tpu.memory_space<vmem_shared>>)
        tpu.yield
      }) : () -> ()
      %add3A_61 = arith.constant 2 : i32
      %add3A_62 = arith.addi %mul3A_31, %add3A_61 : i32
      %lt3A = arith.constant 158 : i32
      %lt3A_63 = arith.cmpi slt, %add3A_62, %lt3A : i32
      %convert_element_type3A = arith.extui %lt3A_63 : i1 to i32
      %cond3A = arith.constant 0 : i32
      %cond3A_64 = arith.cmpi ne, %convert_element_type3A, %cond3A : i32
      scf.if %cond3A_64 {
        %add3A_84 = arith.constant 2 : i32
        %add3A_85 = arith.addi %mul3A_31, %add3A_84 : i32
        %dma_start3A_86 = arith.constant 0 : i32
        %dma_start3A_87 = arith.constant 0 : i32
        %dma_start3A_88 = arith.constant 0 : i32
        %dma_start3A_89 = arith.constant 0 : i32
        %dma_start3A_90 = tpu.memref_slice %arg8[%dma_start3A_86, %dma_start3A_88, %dma_start3A_89] : memref<2x128x64xf32, #tpu.memory_space<vmem>> -> memref<1x128x64xf32, #tpu.memory_space<vmem>>
        %dma_start3A_91 = tpu.memref_squeeze %dma_start3A_90 : memref<1x128x64xf32, #tpu.memory_space<vmem>> -> memref<128x64xf32, #tpu.memory_space<vmem>>
        %dma_start3A_92 = arith.constant 0 : i32
        %dma_start3A_93 = tpu.memref_slice %arg6[%add3A_85, %dma_start3A_92] : memref<158x128xi32, #tpu.memory_space<vmem>> -> memref<1x128xi32, #tpu.memory_space<vmem>>
        %dma_start3A_94 = tpu.memref_squeeze %dma_start3A_93 : memref<1x128xi32, #tpu.memory_space<vmem>> -> memref<128xi32, #tpu.memory_space<vmem>>
        %dma_start3A_95 = arith.constant 0 : i32
        %dma_start3A_96 = arith.constant 0 : i32
        %dma_start3A_97 = tpu.memref_slice %arg2[%dma_start3A_95, %dma_start3A_96] : memref<20480x64xf32, #tpu.memory_space<hbm>> -> memref<20480x64xf32, #tpu.memory_space<hbm>>
        %dma_start3A_98 = tpu.memref_slice %arg10[%dma_start3A_87] : memref<2x!tpu.dma_semaphore, #tpu.memory_space<semaphore_mem>> -> memref<1x!tpu.dma_semaphore, #tpu.memory_space<semaphore_mem>>
        %dma_start3A_99 = tpu.memref_squeeze %dma_start3A_98 : memref<1x!tpu.dma_semaphore, #tpu.memory_space<semaphore_mem>> -> memref<!tpu.dma_semaphore, #tpu.memory_space<semaphore_mem>>
        tpu.enqueue_indirect_dma source(%dma_start3A_97 : memref<20480x64xf32, #tpu.memory_space<hbm>>) target(%dma_start3A_91 : memref<128x64xf32, #tpu.memory_space<vmem>>) offsets(%dma_start3A_94 : memref<128xi32, #tpu.memory_space<vmem>>) semaphore(%dma_start3A_99 : memref<!tpu.dma_semaphore, #tpu.memory_space<semaphore_mem>>)
      } else {
      }
      %add3A_65 = arith.constant 1 : i32
      %add3A_66 = arith.addi %mul3A_31, %add3A_65 : i32
      %dma_wait3A_67 = arith.constant 1 : i32
      %dma_wait3A_68 = arith.constant 1 : i32
      %dma_wait3A_69 = arith.constant 0 : i32
      %dma_wait3A_70 = arith.constant 0 : i32
      %dma_wait3A_71 = tpu.memref_slice %arg8[%dma_wait3A_67, %dma_wait3A_69, %dma_wait3A_70] : memref<2x128x64xf32, #tpu.memory_space<vmem>> -> memref<1x128x64xf32, #tpu.memory_space<vmem>>
      %dma_wait3A_72 = tpu.memref_squeeze %dma_wait3A_71 : memref<1x128x64xf32, #tpu.memory_space<vmem>> -> memref<128x64xf32, #tpu.memory_space<vmem>>
      %dma_wait3A_73 = arith.constant 0 : i32
      %dma_wait3A_74 = tpu.memref_slice %arg6[%add3A_66, %dma_wait3A_73] : memref<158x128xi32, #tpu.memory_space<vmem>> -> memref<1x128xi32, #tpu.memory_space<vmem>>
      %dma_wait3A_75 = tpu.memref_squeeze %dma_wait3A_74 : memref<1x128xi32, #tpu.memory_space<vmem>> -> memref<128xi32, #tpu.memory_space<vmem>>
      %dma_wait3A_76 = arith.constant 0 : i32
      %dma_wait3A_77 = arith.constant 0 : i32
      %dma_wait3A_78 = tpu.memref_slice %arg2[%dma_wait3A_76, %dma_wait3A_77] : memref<20480x64xf32, #tpu.memory_space<hbm>> -> memref<20480x64xf32, #tpu.memory_space<hbm>>
      %dma_wait3A_79 = tpu.memref_slice %arg10[%dma_wait3A_68] : memref<2x!tpu.dma_semaphore, #tpu.memory_space<semaphore_mem>> -> memref<1x!tpu.dma_semaphore, #tpu.memory_space<semaphore_mem>>
      %dma_wait3A_80 = tpu.memref_squeeze %dma_wait3A_79 : memref<1x!tpu.dma_semaphore, #tpu.memory_space<semaphore_mem>> -> memref<!tpu.dma_semaphore, #tpu.memory_space<semaphore_mem>>
      tpu.wait_indirect_dma semaphore(%dma_wait3A_80 : memref<!tpu.dma_semaphore, #tpu.memory_space<semaphore_mem>>) src(%dma_wait3A_78 : memref<20480x64xf32, #tpu.memory_space<hbm>>) dst(%dma_wait3A_72 : memref<128x64xf32, #tpu.memory_space<vmem>>)
      %add3A_81 = arith.constant 1 : i32
      %add3A_82 = arith.addi %mul3A_31, %add3A_81 : i32
      %run_scoped3A_83 = arith.constant 1 : i32
      "tpu.region"() ({
        %run_scoped3A_84 = tpu.sem_alloc : memref<!tpu.dma_semaphore, #tpu.memory_space<semaphore_mem>>
        %dma_start3A_85 = arith.constant 0 : i32
        %dma_start3A_86 = arith.constant 0 : i32
        %dma_start3A_87 = tpu.memref_slice %arg8[%run_scoped3A_83, %dma_start3A_85, %dma_start3A_86] : memref<2x128x64xf32, #tpu.memory_space<vmem>> -> memref<1x128x64xf32, #tpu.memory_space<vmem>>
        %dma_start3A_88 = tpu.memref_squeeze %dma_start3A_87 : memref<1x128x64xf32, #tpu.memory_space<vmem>> -> memref<128x64xf32, #tpu.memory_space<vmem>>
        %dma_start3A_89 = arith.constant 0 : i32
        %dma_start3A_90 = tpu.memref_slice %arg7[%add3A_82, %dma_start3A_89] : memref<158x128xi32, #tpu.memory_space<vmem>> -> memref<1x128xi32, #tpu.memory_space<vmem>>
        %dma_start3A_91 = tpu.memref_squeeze %dma_start3A_90 : memref<1x128xi32, #tpu.memory_space<vmem>> -> memref<128xi32, #tpu.memory_space<vmem>>
        %dma_start3A_92 = arith.constant 0 : i32
        %dma_start3A_93 = arith.constant 0 : i32
        %dma_start3A_94 = tpu.memref_slice %arg9[%dma_start3A_92, %dma_start3A_93] : memref<10240x64xf32, #tpu.memory_space<vmem_shared>> -> memref<10240x64xf32, #tpu.memory_space<vmem_shared>>
        tpu.enqueue_indirect_dma source(%dma_start3A_88 : memref<128x64xf32, #tpu.memory_space<vmem>>) target(%dma_start3A_94 : memref<10240x64xf32, #tpu.memory_space<vmem_shared>>) offsets(%dma_start3A_91 : memref<128xi32, #tpu.memory_space<vmem>>) semaphore(%run_scoped3A_84 : memref<!tpu.dma_semaphore, #tpu.memory_space<semaphore_mem>>) {add = true}
        %dma_wait3A_95 = arith.constant 0 : i32
        %dma_wait3A_96 = arith.constant 0 : i32
        %dma_wait3A_97 = tpu.memref_slice %arg8[%run_scoped3A_83, %dma_wait3A_95, %dma_wait3A_96] : memref<2x128x64xf32, #tpu.memory_space<vmem>> -> memref<1x128x64xf32, #tpu.memory_space<vmem>>
        %dma_wait3A_98 = tpu.memref_squeeze %dma_wait3A_97 : memref<1x128x64xf32, #tpu.memory_space<vmem>> -> memref<128x64xf32, #tpu.memory_space<vmem>>
        %dma_wait3A_99 = arith.constant 0 : i32
        %dma_wait3A_100 = tpu.memref_slice %arg7[%add3A_82, %dma_wait3A_99] : memref<158x128xi32, #tpu.memory_space<vmem>> -> memref<1x128xi32, #tpu.memory_space<vmem>>
        %dma_wait3A_101 = tpu.memref_squeeze %dma_wait3A_100 : memref<1x128xi32, #tpu.memory_space<vmem>> -> memref<128xi32, #tpu.memory_space<vmem>>
        %dma_wait3A_102 = arith.constant 0 : i32
        %dma_wait3A_103 = arith.constant 0 : i32
        %dma_wait3A_104 = tpu.memref_slice %arg9[%dma_wait3A_102, %dma_wait3A_103] : memref<10240x64xf32, #tpu.memory_space<vmem_shared>> -> memref<10240x64xf32, #tpu.memory_space<vmem_shared>>
        tpu.wait_indirect_dma semaphore(%run_scoped3A_84 : memref<!tpu.dma_semaphore, #tpu.memory_space<semaphore_mem>>) src(%dma_wait3A_98 : memref<128x64xf32, #tpu.memory_space<vmem>>) dst(%dma_wait3A_104 : memref<10240x64xf32, #tpu.memory_space<vmem_shared>>)
        tpu.yield
      }) : () -> ()
    }
    %scan3A_24 = arith.constant 79 : i32
    %barrier3A_25 = arith.constant 0 : index
    tpu.barrier barrier_id(%barrier3A_25)
    %mul3A_26 = arith.constant 10240 : i32
    %mul3A_27 = arith.muli %arg0, %mul3A_26 : i32
    %add3A_28 = arith.addi %mul3A_27, %mul3A_2 : i32
    "tpu.region"() ({
      %run_scoped3A = tpu.sem_alloc : memref<!tpu.dma_semaphore, #tpu.memory_space<semaphore_mem>>
      %dma_start3A_29 = arith.constant 0 : i32
      %dma_start3A_30 = tpu.memref_slice %arg5[%add3A_28, %dma_start3A_29] : memref<20480x64xf32, #tpu.memory_space<hbm>> -> memref<640x64xf32, #tpu.memory_space<hbm>>
      %dma_start3A_31 = arith.constant 0 : i32
      %dma_start3A_32 = tpu.memref_slice %arg9[%mul3A_2, %dma_start3A_31] : memref<10240x64xf32, #tpu.memory_space<vmem_shared>> -> memref<640x64xf32, #tpu.memory_space<vmem_shared>>
      tpu.enqueue_dma source(%dma_start3A_32 : memref<640x64xf32, #tpu.memory_space<vmem_shared>>) target(%dma_start3A_30 : memref<640x64xf32, #tpu.memory_space<hbm>>) target_semaphore(%run_scoped3A : memref<!tpu.dma_semaphore, #tpu.memory_space<semaphore_mem>>)
      %dma_wait3A = arith.constant 0 : i32
      %dma_wait3A_33 = tpu.memref_slice %arg5[%add3A_28, %dma_wait3A] : memref<20480x64xf32, #tpu.memory_space<hbm>> -> memref<640x64xf32, #tpu.memory_space<hbm>>
      %dma_wait3A_34 = arith.constant 0 : i32
      %dma_wait3A_35 = tpu.memref_slice %arg9[%mul3A_2, %dma_wait3A_34] : memref<10240x64xf32, #tpu.memory_space<vmem_shared>> -> memref<640x64xf32, #tpu.memory_space<vmem_shared>>
      tpu.wait_dma2 semaphore(%run_scoped3A : memref<!tpu.dma_semaphore, #tpu.memory_space<semaphore_mem>>) src(%dma_wait3A_35 : memref<640x64xf32, #tpu.memory_space<vmem_shared>>) dst(%dma_wait3A_33 : memref<640x64xf32, #tpu.memory_space<hbm>>)
      tpu.yield
    }) : () -> ()
    return
  }
}

module attributes {stable_mosaic.version = 14 : i64} {
  func.func @_pre_body(%arg0: i32, %arg1: memref<2x1280x16xf32, #tpu.memory_space<vmem>>, %arg2: memref<1280x128xf32, #tpu.memory_space<vmem>>, %arg3: memref<1280x1xf32, #tpu.memory_space<vmem>>, %arg4: memref<2x1280x64xf32, #tpu.memory_space<vmem>>) attributes {dimension_semantics = [#tpu.dimension_semantics<arbitrary>], iteration_bounds = array<i64: 8>, scalar_prefetch = 0 : i64, scratch_operands = 0 : i64, tpu.core_type = #tpu.core_type<tc>, window_params = [{transform_indices = @transform_0, window_bounds = array<i64: 2, 1280, 16>}, {transform_indices = @transform_1, window_bounds = array<i64: 1280, 128>}, {transform_indices = @transform_2, window_bounds = array<i64: 1280, 1>}, {transform_indices = @transform_3, window_bounds = array<i64: 2, 1280, 64>}]} {
    %get3A = arith.constant 0 : index
    %get3A_0 = arith.constant 0 : index
    %get3A_1 = arith.constant 0 : index
    %get3A_2 = vector.load %arg1[%get3A, %get3A_0, %get3A_1] : memref<2x1280x16xf32, #tpu.memory_space<vmem>>, vector<1x1280x1xf32>
    %get3A_3 = vector.shape_cast %get3A_2 : vector<1x1280x1xf32> to vector<1280x1xf32>
    %get3A_4 = arith.constant 1 : index
    %get3A_5 = arith.constant 0 : index
    %get3A_6 = arith.constant 0 : index
    %get3A_7 = vector.load %arg1[%get3A_4, %get3A_5, %get3A_6] : memref<2x1280x16xf32, #tpu.memory_space<vmem>>, vector<1x1280x1xf32>
    %get3A_8 = vector.shape_cast %get3A_7 : vector<1x1280x1xf32> to vector<1280x1xf32>
    %add3A = arith.addf %get3A_3, %get3A_8 : vector<1280x1xf32>
    %add3A_9 = arith.constant 1.000000e+00 : f32
    %add3A_10 = vector.broadcast %add3A_9 : f32 to vector<1280x1xf32>
    %add3A_11 = arith.addf %add3A, %add3A_10 : vector<1280x1xf32>
    %rsqrt3A = math.rsqrt %add3A_11 : vector<1280x1xf32>
    %swap3A = arith.constant 0 : index
    %swap3A_12 = arith.constant 0 : index
    %swap3A_13 = vector.load %arg3[%swap3A, %swap3A_12] : memref<1280x1xf32, #tpu.memory_space<vmem>>, vector<1280x1xf32>
    tpu.vector_store %arg3[%swap3A, %swap3A_12], %rsqrt3A {strides = array<i32>} : memref<1280x1xf32, #tpu.memory_space<vmem>>, vector<1280x1xf32>,
    %get3A_14 = arith.constant 0 : index
    %get3A_15 = arith.constant 0 : index
    %get3A_16 = vector.load %arg2[%get3A_14, %get3A_15] : memref<1280x128xf32, #tpu.memory_space<vmem>>, vector<1280x64xf32>
    %mul3A = vector.broadcast %rsqrt3A : vector<1280x1xf32> to vector<1280x64xf32>
    %mul3A_17 = arith.mulf %get3A_16, %mul3A : vector<1280x64xf32>
    %swap3A_18 = arith.constant 0 : index
    %swap3A_19 = arith.constant 0 : index
    %swap3A_20 = arith.constant 0 : index
    %swap3A_21 = vector.load %arg4[%swap3A_18, %swap3A_19, %swap3A_20] : memref<2x1280x64xf32, #tpu.memory_space<vmem>>, vector<1x1280x64xf32>
    %swap3A_22 = vector.shape_cast %swap3A_21 : vector<1x1280x64xf32> to vector<1280x64xf32>
    %swap3A_23 = vector.shape_cast %mul3A_17 : vector<1280x64xf32> to vector<1x1280x64xf32>
    tpu.vector_store %arg4[%swap3A_18, %swap3A_19, %swap3A_20], %swap3A_23 {strides = array<i32>} : memref<2x1280x64xf32, #tpu.memory_space<vmem>>, vector<1x1280x64xf32>,
    %get3A_24 = arith.constant 0 : index
    %get3A_25 = arith.constant 64 : index
    %get3A_26 = vector.load %arg2[%get3A_24, %get3A_25] : memref<1280x128xf32, #tpu.memory_space<vmem>>, vector<1280x64xf32>
    %mul3A_27 = vector.broadcast %rsqrt3A : vector<1280x1xf32> to vector<1280x64xf32>
    %mul3A_28 = arith.mulf %get3A_26, %mul3A_27 : vector<1280x64xf32>
    %swap3A_29 = arith.constant 1 : index
    %swap3A_30 = arith.constant 0 : index
    %swap3A_31 = arith.constant 0 : index
    %swap3A_32 = vector.load %arg4[%swap3A_29, %swap3A_30, %swap3A_31] : memref<2x1280x64xf32, #tpu.memory_space<vmem>>, vector<1x1280x64xf32>
    %swap3A_33 = vector.shape_cast %swap3A_32 : vector<1x1280x64xf32> to vector<1280x64xf32>
    %swap3A_34 = vector.shape_cast %mul3A_28 : vector<1280x64xf32> to vector<1x1280x64xf32>
    tpu.vector_store %arg4[%swap3A_29, %swap3A_30, %swap3A_31], %swap3A_34 {strides = array<i32>} : memref<2x1280x64xf32, #tpu.memory_space<vmem>>, vector<1x1280x64xf32>,
    return
  }
  func.func @transform_0(%arg0: i32) -> (i32, i32, i32) {
    %c0_i32 = arith.constant 0 : i32
    %c0_i32_0 = arith.constant 0 : i32
    %c0_i32_1 = arith.constant 0 : i32
    return %c0_i32, %arg0, %c0_i32_0 : i32, i32, i32
  }
  func.func @transform_1(%arg0: i32) -> (i32, i32) {
    %c0_i32 = arith.constant 0 : i32
    %c0_i32_0 = arith.constant 0 : i32
    return %arg0, %c0_i32 : i32, i32
  }
  func.func @transform_2(%arg0: i32) -> (i32, i32) {
    %c0_i32 = arith.constant 0 : i32
    %c0_i32_0 = arith.constant 0 : i32
    return %arg0, %c0_i32 : i32, i32
  }
  func.func @transform_3(%arg0: i32) -> (i32, i32, i32) {
    %c0_i32 = arith.constant 0 : i32
    %c0_i32_0 = arith.constant 0 : i32
    %c0_i32_1 = arith.constant 0 : i32
    return %c0_i32, %arg0, %c0_i32_0 : i32, i32, i32
  }
}

module attributes {stable_mosaic.version = 14 : i64} {
  func.func @_mid_body(%arg0: i32, %arg1: memref<2x1280x64xf32, #tpu.memory_space<vmem>>, %arg2: memref<1280x1xf32, #tpu.memory_space<vmem>>, %arg3: memref<128x128xf32, #tpu.memory_space<vmem>>, %arg4: memref<1x128xf32, #tpu.memory_space<vmem>>, %arg5: memref<128x64xf32, #tpu.memory_space<vmem>>, %arg6: memref<2x1280x32xf32, #tpu.memory_space<vmem>>) attributes {dimension_semantics = [#tpu.dimension_semantics<arbitrary>], iteration_bounds = array<i64: 8>, scalar_prefetch = 0 : i64, scratch_operands = 0 : i64, tpu.core_type = #tpu.core_type<tc>, window_params = [{transform_indices = @transform_0, window_bounds = array<i64: 2, 1280, 64>}, {transform_indices = @transform_1, window_bounds = array<i64: 1280, 1>}, {pipeline_mode = #tpu.pipeline_mode<synchronous>, transform_indices = @transform_2, window_bounds = array<i64: 128, 128>}, {pipeline_mode = #tpu.pipeline_mode<synchronous>, transform_indices = @transform_3, window_bounds = array<i64: 1, 128>}, {pipeline_mode = #tpu.pipeline_mode<synchronous>, transform_indices = @transform_4, window_bounds = array<i64: 128, 64>}, {transform_indices = @transform_5, window_bounds = array<i64: 2, 1280, 32>}]} {
    %get3A = arith.constant 0 : index
    %get3A_0 = arith.constant 0 : index
    %get3A_1 = vector.load %arg2[%get3A, %get3A_0] : memref<1280x1xf32, #tpu.memory_space<vmem>>, vector<1280x1xf32>
    %get3A_2 = arith.constant 0 : index
    %get3A_3 = arith.constant 0 : index
    %get3A_4 = arith.constant 0 : index
    %get3A_5 = vector.load %arg1[%get3A_2, %get3A_3, %get3A_4] : memref<2x1280x64xf32, #tpu.memory_space<vmem>>, vector<1x1280x64xf32>
    %get3A_6 = vector.shape_cast %get3A_5 : vector<1x1280x64xf32> to vector<1280x64xf32>
    %mul3A = vector.broadcast %get3A_1 : vector<1280x1xf32> to vector<1280x64xf32>
    %mul3A_7 = arith.mulf %get3A_6, %mul3A : vector<1280x64xf32>
    %get3A_8 = arith.constant 1 : index
    %get3A_9 = arith.constant 0 : index
    %get3A_10 = arith.constant 0 : index
    %get3A_11 = vector.load %arg1[%get3A_8, %get3A_9, %get3A_10] : memref<2x1280x64xf32, #tpu.memory_space<vmem>>, vector<1x1280x64xf32>
    %get3A_12 = vector.shape_cast %get3A_11 : vector<1x1280x64xf32> to vector<1280x64xf32>
    %mul3A_13 = vector.broadcast %get3A_1 : vector<1280x1xf32> to vector<1280x64xf32>
    %mul3A_14 = arith.mulf %get3A_12, %mul3A_13 : vector<1280x64xf32>
    %get3A_15 = arith.constant 0 : index
    %get3A_16 = arith.constant 0 : index
    %get3A_17 = vector.load %arg3[%get3A_15, %get3A_16] : memref<128x128xf32, #tpu.memory_space<vmem>>, vector<64x128xf32>
    %dot_general3A = arith.constant dense<0.000000e+00> : vector<1280x128xf32>
    %dot_general3A_18 = tpu.matmul %mul3A_7, %get3A_17, %dot_general3A {dimension_numbers = #tpu.dot_dimension_numbers<[1], [0], [0], [1], [0, 0, 1, 1], [], []>, transpose_lhs_hint = false} : vector<1280x64xf32>, vector<64x128xf32>, vector<1280x128xf32> -> vector<1280x128xf32>
    %get3A_19 = arith.constant 64 : index
    %get3A_20 = arith.constant 0 : index
    %get3A_21 = vector.load %arg3[%get3A_19, %get3A_20] : memref<128x128xf32, #tpu.memory_space<vmem>>, vector<64x128xf32>
    %dot_general3A_22 = arith.constant dense<0.000000e+00> : vector<1280x128xf32>
    %dot_general3A_23 = tpu.matmul %mul3A_14, %get3A_21, %dot_general3A_22 {dimension_numbers = #tpu.dot_dimension_numbers<[1], [0], [0], [1], [0, 0, 1, 1], [], []>, transpose_lhs_hint = false} : vector<1280x64xf32>, vector<64x128xf32>, vector<1280x128xf32> -> vector<1280x128xf32>
    %add3A = arith.addf %dot_general3A_18, %dot_general3A_23 : vector<1280x128xf32>
    %get3A_24 = arith.constant 0 : index
    %get3A_25 = arith.constant 0 : index
    %get3A_26 = vector.load %arg4[%get3A_24, %get3A_25] : memref<1x128xf32, #tpu.memory_space<vmem>>, vector<1x128xf32>
    %add3A_27 = vector.broadcast %get3A_26 : vector<1x128xf32> to vector<1280x128xf32>
    %add3A_28 = arith.addf %add3A, %add3A_27 : vector<1280x128xf32>
    %max3A = arith.constant 0.000000e+00 : f32
    %max3A_29 = vector.broadcast %max3A : f32 to vector<1280x128xf32>
    %max3A_30 = arith.maximumf %add3A_28, %max3A_29 : vector<1280x128xf32>
    %get3A_31 = arith.constant 0 : index
    %get3A_32 = arith.constant 0 : index
    %get3A_33 = vector.load %arg5[%get3A_31, %get3A_32] : memref<128x64xf32, #tpu.memory_space<vmem>>, vector<128x64xf32>
    %dot_general3A_34 = arith.constant dense<0.000000e+00> : vector<1280x64xf32>
    %dot_general3A_35 = tpu.matmul %max3A_30, %get3A_33, %dot_general3A_34 {dimension_numbers = #tpu.dot_dimension_numbers<[1], [0], [0], [1], [0, 0, 1, 1], [], []>, transpose_lhs_hint = false} : vector<1280x128xf32>, vector<128x64xf32>, vector<1280x64xf32> -> vector<1280x64xf32>
    %mul3A_36 = vector.broadcast %get3A_1 : vector<1280x1xf32> to vector<1280x64xf32>
    %mul3A_37 = arith.mulf %dot_general3A_35, %mul3A_36 : vector<1280x64xf32>
    %iota3A = tpu.iota {dimensions = array<i32: 0>} : vector<1280x1xi32>
    %mul3A_38 = arith.constant 1280 : i32
    %mul3A_39 = arith.muli %arg0, %mul3A_38 : i32
    %add3A_40 = vector.broadcast %mul3A_39 : i32 to vector<1280x1xi32>
    %add3A_41 = arith.addi %iota3A, %add3A_40 : vector<1280x1xi32>
    %lt3A = arith.constant 10000 : i32
    %lt3A_42 = vector.broadcast %lt3A : i32 to vector<1280x1xi32>
    %lt3A_43 = arith.cmpi slt, %add3A_41, %lt3A_42 : vector<1280x1xi32>
    %jit3A = arith.constant 0.000000e+00 : f32
    %broadcast_in_dim3A = vector.shape_cast %lt3A_43 : vector<1280x1xi1> to vector<1280x1xi1>
    %broadcast_in_dim3A_44 = vector.broadcast %broadcast_in_dim3A : vector<1280x1xi1> to vector<1280x64xi1>
    %broadcast_in_dim3A_45 = vector.broadcast %jit3A : f32 to vector<1280x64xf32>
    %select_n3A = arith.select %broadcast_in_dim3A_44, %mul3A_37, %broadcast_in_dim3A_45 : vector<1280x64xi1>, vector<1280x64xf32>
    %slice3A = vector.extract_strided_slice %select_n3A {offsets = [0, 0], sizes = [1280, 32], strides = [1, 1]} : vector<1280x64xf32> to vector<1280x32xf32>
    %swap3A = arith.constant 0 : index
    %swap3A_46 = arith.constant 0 : index
    %swap3A_47 = arith.constant 0 : index
    %swap3A_48 = vector.load %arg6[%swap3A, %swap3A_46, %swap3A_47] : memref<2x1280x32xf32, #tpu.memory_space<vmem>>, vector<1x1280x32xf32>
    %swap3A_49 = vector.shape_cast %swap3A_48 : vector<1x1280x32xf32> to vector<1280x32xf32>
    %swap3A_50 = vector.shape_cast %slice3A : vector<1280x32xf32> to vector<1x1280x32xf32>
    tpu.vector_store %arg6[%swap3A, %swap3A_46, %swap3A_47], %swap3A_50 {strides = array<i32>} : memref<2x1280x32xf32, #tpu.memory_space<vmem>>, vector<1x1280x32xf32>,
    %slice3A_51 = vector.extract_strided_slice %select_n3A {offsets = [0, 32], sizes = [1280, 32], strides = [1, 1]} : vector<1280x64xf32> to vector<1280x32xf32>
    %swap3A_52 = arith.constant 1 : index
    %swap3A_53 = arith.constant 0 : index
    %swap3A_54 = arith.constant 0 : index
    %swap3A_55 = vector.load %arg6[%swap3A_52, %swap3A_53, %swap3A_54] : memref<2x1280x32xf32, #tpu.memory_space<vmem>>, vector<1x1280x32xf32>
    %swap3A_56 = vector.shape_cast %swap3A_55 : vector<1x1280x32xf32> to vector<1280x32xf32>
    %swap3A_57 = vector.shape_cast %slice3A_51 : vector<1280x32xf32> to vector<1x1280x32xf32>
    tpu.vector_store %arg6[%swap3A_52, %swap3A_53, %swap3A_54], %swap3A_57 {strides = array<i32>} : memref<2x1280x32xf32, #tpu.memory_space<vmem>>, vector<1x1280x32xf32>,
    return
  }
  func.func @transform_0(%arg0: i32) -> (i32, i32, i32) {
    %c0_i32 = arith.constant 0 : i32
    %c0_i32_0 = arith.constant 0 : i32
    %c0_i32_1 = arith.constant 0 : i32
    return %c0_i32, %arg0, %c0_i32_0 : i32, i32, i32
  }
  func.func @transform_1(%arg0: i32) -> (i32, i32) {
    %c0_i32 = arith.constant 0 : i32
    %c0_i32_0 = arith.constant 0 : i32
    return %arg0, %c0_i32 : i32, i32
  }
  func.func @transform_2(%arg0: i32) -> (i32, i32) {
    %c0_i32 = arith.constant 0 : i32
    %c0_i32_0 = arith.constant 0 : i32
    %c0_i32_1 = arith.constant 0 : i32
    return %c0_i32, %c0_i32_0 : i32, i32
  }
  func.func @transform_3(%arg0: i32) -> (i32, i32) {
    %c0_i32 = arith.constant 0 : i32
    %c0_i32_0 = arith.constant 0 : i32
    %c0_i32_1 = arith.constant 0 : i32
    return %c0_i32, %c0_i32_0 : i32, i32
  }
  func.func @transform_4(%arg0: i32) -> (i32, i32) {
    %c0_i32 = arith.constant 0 : i32
    %c0_i32_0 = arith.constant 0 : i32
    %c0_i32_1 = arith.constant 0 : i32
    return %c0_i32, %c0_i32_0 : i32, i32
  }
  func.func @transform_5(%arg0: i32) -> (i32, i32, i32) {
    %c0_i32 = arith.constant 0 : i32
    %c0_i32_0 = arith.constant 0 : i32
    %c0_i32_1 = arith.constant 0 : i32
    return %c0_i32, %arg0, %c0_i32_0 : i32, i32, i32
  }
}

module attributes {stable_mosaic.version = 14 : i64} {
  func.func @_fin_body(%arg0: i32, %arg1: memref<2x1280x32xf32, #tpu.memory_space<vmem>>, %arg2: memref<1280x1xf32, #tpu.memory_space<vmem>>, %arg3: memref<1x64xf32, #tpu.memory_space<vmem>>, %arg4: memref<1280x64xf32, #tpu.memory_space<vmem>>) attributes {dimension_semantics = [#tpu.dimension_semantics<arbitrary>], iteration_bounds = array<i64: 8>, scalar_prefetch = 0 : i64, scratch_operands = 0 : i64, tpu.core_type = #tpu.core_type<tc>, window_params = [{transform_indices = @transform_0, window_bounds = array<i64: 2, 1280, 32>}, {transform_indices = @transform_1, window_bounds = array<i64: 1280, 1>}, {pipeline_mode = #tpu.pipeline_mode<synchronous>, transform_indices = @transform_2, window_bounds = array<i64: 1, 64>}, {transform_indices = @transform_3, window_bounds = array<i64: 1280, 64>}]} {
    %get3A = arith.constant 0 : index
    %get3A_0 = arith.constant 0 : index
    %get3A_1 = vector.load %arg2[%get3A, %get3A_0] : memref<1280x1xf32, #tpu.memory_space<vmem>>, vector<1280x1xf32>
    %get3A_2 = arith.constant 0 : index
    %get3A_3 = arith.constant 0 : index
    %get3A_4 = arith.constant 0 : index
    %get3A_5 = vector.load %arg1[%get3A_2, %get3A_3, %get3A_4] : memref<2x1280x32xf32, #tpu.memory_space<vmem>>, vector<1x1280x32xf32>
    %get3A_6 = vector.shape_cast %get3A_5 : vector<1x1280x32xf32> to vector<1280x32xf32>
    %mul3A = vector.broadcast %get3A_1 : vector<1280x1xf32> to vector<1280x32xf32>
    %mul3A_7 = arith.mulf %get3A_6, %mul3A : vector<1280x32xf32>
    %get3A_8 = arith.constant 0 : index
    %get3A_9 = arith.constant 0 : index
    %get3A_10 = vector.load %arg3[%get3A_8, %get3A_9] : memref<1x64xf32, #tpu.memory_space<vmem>>, vector<1x32xf32>
    %add3A = vector.broadcast %get3A_10 : vector<1x32xf32> to vector<1280x32xf32>
    %add3A_11 = arith.addf %mul3A_7, %add3A : vector<1280x32xf32>
    %get3A_12 = arith.constant 1 : index
    %get3A_13 = arith.constant 0 : index
    %get3A_14 = arith.constant 0 : index
    %get3A_15 = vector.load %arg1[%get3A_12, %get3A_13, %get3A_14] : memref<2x1280x32xf32, #tpu.memory_space<vmem>>, vector<1x1280x32xf32>
    %get3A_16 = vector.shape_cast %get3A_15 : vector<1x1280x32xf32> to vector<1280x32xf32>
    %mul3A_17 = vector.broadcast %get3A_1 : vector<1280x1xf32> to vector<1280x32xf32>
    %mul3A_18 = arith.mulf %get3A_16, %mul3A_17 : vector<1280x32xf32>
    %get3A_19 = arith.constant 0 : index
    %get3A_20 = arith.constant 32 : index
    %get3A_21 = vector.load %arg3[%get3A_19, %get3A_20] : memref<1x64xf32, #tpu.memory_space<vmem>>, vector<1x32xf32>
    %add3A_22 = vector.broadcast %get3A_21 : vector<1x32xf32> to vector<1280x32xf32>
    %add3A_23 = arith.addf %mul3A_18, %add3A_22 : vector<1280x32xf32>
    %reduce_max3A = arith.constant dense<0xFF800000> : vector<1280xf32>
    %reduce_max3A_24 = vector.multi_reduction <maximumf>, %add3A_11, %reduce_max3A [1] : vector<1280x32xf32> to vector<1280xf32>
    %broadcast_in_dim3A = vector.shape_cast %reduce_max3A_24 : vector<1280xf32> to vector<1280x1xf32>
    %reduce_max3A_25 = arith.constant dense<0xFF800000> : vector<1280xf32>
    %reduce_max3A_26 = vector.multi_reduction <maximumf>, %add3A_23, %reduce_max3A_25 [1] : vector<1280x32xf32> to vector<1280xf32>
    %broadcast_in_dim3A_27 = vector.shape_cast %reduce_max3A_26 : vector<1280xf32> to vector<1280x1xf32>
    %max3A = arith.maximumf %broadcast_in_dim3A, %broadcast_in_dim3A_27 : vector<1280x1xf32>
    %sub3A = vector.broadcast %max3A : vector<1280x1xf32> to vector<1280x32xf32>
    %sub3A_28 = arith.subf %add3A_11, %sub3A : vector<1280x32xf32>
    %exp3A = math.exp %sub3A_28 : vector<1280x32xf32>
    %reduce_sum3A = arith.constant dense<0.000000e+00> : vector<1280xf32>
    %reduce_sum3A_29 = vector.multi_reduction <add>, %exp3A, %reduce_sum3A [1] : vector<1280x32xf32> to vector<1280xf32>
    %broadcast_in_dim3A_30 = vector.shape_cast %reduce_sum3A_29 : vector<1280xf32> to vector<1280x1xf32>
    %sub3A_31 = vector.broadcast %max3A : vector<1280x1xf32> to vector<1280x32xf32>
    %sub3A_32 = arith.subf %add3A_23, %sub3A_31 : vector<1280x32xf32>
    %exp3A_33 = math.exp %sub3A_32 : vector<1280x32xf32>
    %reduce_sum3A_34 = arith.constant dense<0.000000e+00> : vector<1280xf32>
    %reduce_sum3A_35 = vector.multi_reduction <add>, %exp3A_33, %reduce_sum3A_34 [1] : vector<1280x32xf32> to vector<1280xf32>
    %broadcast_in_dim3A_36 = vector.shape_cast %reduce_sum3A_35 : vector<1280xf32> to vector<1280x1xf32>
    %add3A_37 = arith.addf %broadcast_in_dim3A_30, %broadcast_in_dim3A_36 : vector<1280x1xf32>
    %log3A = math.log %add3A_37 : vector<1280x1xf32>
    %add3A_38 = arith.addf %max3A, %log3A : vector<1280x1xf32>
    %sub3A_39 = vector.broadcast %add3A_38 : vector<1280x1xf32> to vector<1280x32xf32>
    %sub3A_40 = arith.subf %add3A_11, %sub3A_39 : vector<1280x32xf32>
    %swap3A = arith.constant 0 : index
    %swap3A_41 = arith.constant 0 : index
    %swap3A_42 = vector.load %arg4[%swap3A, %swap3A_41] : memref<1280x64xf32, #tpu.memory_space<vmem>>, vector<1280x32xf32>
    tpu.vector_store %arg4[%swap3A, %swap3A_41], %sub3A_40 {strides = array<i32>} : memref<1280x64xf32, #tpu.memory_space<vmem>>, vector<1280x32xf32>,
    %sub3A_43 = vector.broadcast %add3A_38 : vector<1280x1xf32> to vector<1280x32xf32>
    %sub3A_44 = arith.subf %add3A_23, %sub3A_43 : vector<1280x32xf32>
    %swap3A_45 = arith.constant 0 : index
    %swap3A_46 = arith.constant 32 : index
    %swap3A_47 = vector.load %arg4[%swap3A_45, %swap3A_46] : memref<1280x64xf32, #tpu.memory_space<vmem>>, vector<1280x32xf32>
    tpu.vector_store %arg4[%swap3A_45, %swap3A_46], %sub3A_44 {strides = array<i32>} : memref<1280x64xf32, #tpu.memory_space<vmem>>, vector<1280x32xf32>,
    return
  }
  func.func @transform_0(%arg0: i32) -> (i32, i32, i32) {
    %c0_i32 = arith.constant 0 : i32
    %c0_i32_0 = arith.constant 0 : i32
    %c0_i32_1 = arith.constant 0 : i32
    return %c0_i32, %arg0, %c0_i32_0 : i32, i32, i32
  }
  func.func @transform_1(%arg0: i32) -> (i32, i32) {
    %c0_i32 = arith.constant 0 : i32
    %c0_i32_0 = arith.constant 0 : i32
    return %arg0, %c0_i32 : i32, i32
  }
  func.func @transform_2(%arg0: i32) -> (i32, i32) {
    %c0_i32 = arith.constant 0 : i32
    %c0_i32_0 = arith.constant 0 : i32
    %c0_i32_1 = arith.constant 0 : i32
    return %c0_i32, %c0_i32_0 : i32, i32
  }
  func.func @transform_3(%arg0: i32) -> (i32, i32) {
    %c0_i32 = arith.constant 0 : i32
    %c0_i32_0 = arith.constant 0 : i32
    return %arg0, %c0_i32 : i32, i32
  }
}

</mosaic_0001>

<sc_bundles>
// kernel: kernel.11.cloned.1.call-start
scs
__scs_entry_jumppad:
0x0: {  	(pc) =	sbr.rel $0x88, $3  }
0x1: {  	(tag) =	ssettag $0x0;
	lr =	simm.s32 $0x1  }
0x2: {  	[smem:$0x3F9B] =	sst lr;
	_ =	strace $0xD0000000  }
0x3: {  	_ = 	snop  }
0x4: {  	_ = 	snop  }
0x5: {  	_ = 	snop  }
0x6: {  	_ = 	snop  }
0x7: {  	_ = 	snop  }
__scs_overlays_trampoline_lowered:
0x8: {  	[smem:$0x3FAA] =	sst s0  }
0x9: {  	[smem:$0x3FAB] =	sst s1  }
0xa: {  	[smem:$0x3FAC] =	sst s2  }
0xb: {  	[smem:$0x3FAD] =	sst s3  }
0xc: {  	[smem:$0x3FAE] =	sst s4  }
0xd: {  	[smem:$0x3FAF] =	sst s5  }
0xe: {  	[smem:$0x3FB0] =	sst s6  }
0xf: {  	[smem:$0x3FB1] =	sst s7  }
0x10: {  	[smem:$0x3FB2] =	sst s8  }
0x11: {  	[smem:$0x3FB3] =	sst s9;
	s0 =	simm.s32 @!p0 $0x0  }
0x12: {  	s1 =	sld [smem:$0x3F99];
	s0 =	simm.s32 @p0 $0x1  }
0x13: {  	[smem:$0x3FB4] =	sst s0;
	s0 =	simm.s32 @!p1 $0x0  }
0x14: {  	s2 =	sld [smem:$0x3F98];
	s0 =	simm.s32 @p1 $0x1  }
0x15: {  	[smem:$0x3FB5] =	sst s0;
	s0 =	simm.s32 @!p2 $0x0  }
0x16: {  	s3 =	sld [smem:$0x3FDB];
	s0 =	simm.s32 @p2 $0x1  }
0x17: {  	s4 =	simm.s32 $0x1BF5;
	[smem:$0x3FB7] =	sst s0  }
0x18: {  	s0 =	sld [smem:$0x3F9A];
	_ =	swait.ge [sflag:s4], $0x0  }
0x19: {  	s7 =	sld [smem:$0x3F9B]  }
0x1a: {  	s8 =	sadd.s32 $0xFFFFE003, lr  }
0x1b: {  	s9 =	sadd.s32 $0xFFFFFEF7, lr;
	s5 =	simm.s32 $0xFFFFFFFF;
	p2 =	slt.u32 s8, $0xFFFFF086  }
0x1c: {  	p1 =	slt.u32 s9, $0xF7A;
	s5 =	simm.s32 @!p2 $0x0  }
0x1d: {  	s5 =	simm.s32 @p1 $0x1;
	p0 =	seq.s32 s7, s2  }
0x1e: {  	s7 =	smul.u32 @!p0 $0xF7A, s2;
	p2 =	seq.s32 @!p0 s5, $0x0  }
0x1f: {  	s9 =	smul.u32 $0xF7A, s1;
	s8 =	simm.s32 @!p0 $0x1BF5;
	p2 =	por !p2, p0  }
0x20: {  	[sflag:s8] =	ssyncset.s32 @!p0 $0xFFFFF086;
	s6 =	sadd.s32 @!p0 s3, s7;
	s7 =	simm.s32 @!p0 $0x108  }
0x21: {  	s3 =	sadd.s32 s3, s9;
	s6 =	sadd.s32 @!p0 $0x88, s6;
	s7 =	simm.s32 @p2 $0x1082  }
0x22: {  	[simem:s7], [sflag:s8] =	dma.local @!p0 [hbm:s6], $0xF7A  }
0x23: {  	s9 =	sor.u32 $0xD0000000, s2;
	s6 =	simm.s32 $0x108;
	_ =	swait.ge @!p0 [sflag:s8], $0x0  }
0x24: {  	s3 =	sadd.s32 $0x88, s3;
	s6 =	simm.s32 @!p1 $0x1082;
	[sflag:s4] =	ssyncset.s32 $0xFFFFF086  }
0x25: {  	[simem:s6], [sflag:s4] =	dma.local [hbm:s3], $0xF7A  }
0x26: {  	[smem:$0x3F9B] =	sst s1;
	(tag) =	ssettag s2;
	_ =	strace s9  }
0x27: {  	s1 =	sld [smem:$0x3FAB]  }
0x28: {  	s2 =	sld [smem:$0x3FAC]  }
0x29: {  	s4 =	sld [smem:$0x3FAE]  }
0x2a: {  	p0 =	seq.s32 s5, $0x0;
	s5 =	sld [smem:$0x3FAF]  }
0x2b: {  	s6 =	sld [smem:$0x3FB0]  }
0x2c: {  	s7 =	sld [smem:$0x3FB1]  }
0x2d: {  	s3 =	simm.s32 $0x108;
	s8 =	sld [smem:$0x3FB2]  }
0x2e: {  	s3 =	simm.s32 @!p0 $0x1082;
	s9 =	sld [smem:$0x3FB3]  }
0x2f: {  	lr =	sadd.s32 s0, s3;
	s0 =	sld [smem:$0x3FAA]  }
0x30: {  	s3 =	sld [smem:$0x3FAD]  }
0x31: {  	[smem:$0x3FB6] =	sst s10  }
0x32: {  	s10 =	sld [smem:$0x3FB4];
	_ =	sdelay $0x3  }
0x33: {  	p0 =	seq.s32 s10, $0x1;
	s10 =	sld [smem:$0x3FB6];
	_ =	sdelay $0x3  }
0x34: {  	[smem:$0x3FB6] =	sst s10  }
0x35: {  	s10 =	sld [smem:$0x3FB5];
	_ =	sdelay $0x3  }
0x36: {  	p1 =	seq.s32 s10, $0x1;
	s10 =	sld [smem:$0x3FB6];
	_ =	sdelay $0x3  }
0x37: {  	[smem:$0x3FB6] =	sst s10  }
0x38: {  	s10 =	sld [smem:$0x3FB7]  }
0x39: {  	_ = 	snop;
	(pc) =	sbr.ind lr, $3  }
0x3a: {  	_ = 	snop  }
0x3b: {  	_ = 	snop  }
0x3c: {  	p2 =	seq.s32 s10, $0x1;
	s10 =	sld [smem:$0x3FB6]  }
0x3d: {  	_ =	shalt  }
0x3e: {  	_ =	shalt  }
0x3f: {  	_ =	shalt  }
0x40: {  	_ =	shalt  }
0x41: {  	_ =	shalt  }
0x42: {  	_ =	shalt  }
0x43: {  	_ =	shalt  }
0x44: {  	_ =	shalt  }
0x45: {  	_ =	shalt  }
0x46: {  	_ =	shalt  }
0x47: {  	_ =	shalt  }
0x48: {  	_ =	shalt  }
0x49: {  	_ =	shalt  }
0x4a: {  	_ =	shalt  }
0x4b: {  	_ =	shalt  }
0x4c: {  	_ =	shalt  }
0x4d: {  	_ =	shalt  }
0x4e: {  	_ =	shalt  }
0x4f: {  	_ =	shalt  }
0x50: {  	_ =	shalt  }
0x51: {  	_ =	shalt  }
0x52: {  	_ =	shalt  }
0x53: {  	_ =	shalt  }
0x54: {  	_ =	shalt  }
0x55: {  	_ =	shalt  }
0x56: {  	_ =	shalt  }
0x57: {  	_ =	shalt  }
0x58: {  	_ =	shalt  }
0x59: {  	_ =	shalt  }
0x5a: {  	_ =	shalt  }
0x5b: {  	_ =	shalt  }
0x5c: {  	_ =	shalt  }
0x5d: {  	_ =	shalt  }
0x5e: {  	_ =	shalt  }
0x5f: {  	_ =	shalt  }
0x60: {  	_ =	shalt  }
0x61: {  	_ =	shalt  }
0x62: {  	_ =	shalt  }
0x63: {  	_ =	shalt  }
0x64: {  	_ =	shalt  }
0x65: {  	_ =	shalt  }
0x66: {  	_ =	shalt  }
0x67: {  	_ =	shalt  }
0x68: {  	_ =	shalt  }
0x69: {  	_ =	shalt  }
0x6a: {  	_ =	shalt  }
0x6b: {  	_ =	shalt  }
0x6c: {  	_ =	shalt  }
0x6d: {  	_ =	shalt  }
0x6e: {  	_ =	shalt  }
0x6f: {  	_ =	shalt  }
0x70: {  	_ =	shalt  }
0x71: {  	_ =	shalt  }
0x72: {  	_ =	shalt  }
0x73: {  	_ =	shalt  }
0x74: {  	_ =	shalt  }
0x75: {  	_ =	shalt  }
0x76: {  	_ =	shalt  }
0x77: {  	_ =	shalt  }
0x78: {  	_ =	shalt  }
0x79: {  	_ =	shalt  }
0x7a: {  	_ =	shalt  }
0x7b: {  	_ =	shalt  }
0x7c: {  	_ =	shalt  }
0x7d: {  	_ =	shalt  }
0x7e: {  	_ =	shalt  }
0x7f: {  	_ =	shalt  }
0x80: {  	_ =	shalt  }
0x81: {  	_ =	shalt  }
0x82: {  	_ =	shalt  }
0x83: {  	_ =	shalt  }
0x84: {  	_ =	shalt  }
0x85: {  	_ =	shalt  }
0x86: {  	_ =	shalt  }
0x87: {  	_ =	shalt  }
.Lfunc_end0:
.L_simem_size_0:
called_computation.1_lowered:
.L_overlay_start_0:
0x88: {  	s2 =	sld [smem:$0x3FD9]  }
0x89: {  	s3 =	sld [smem:$0x3FFE];
	_ =	sdelay $0x1  }
0x8a: {  	s1 =	srdreg.scid  }
0x8b: {  	s0 =	sand.u32 $0x1, s1  }
0x8c: {  	s17 =	sshll.u32 s0, $0xA;
	s2 =	sadd.s32 s3, s2  }
0x8d: {  	s2 =	sadd.s32 s2, s17  }
0x8e: {  	[smem:$0x3FC2] =	sst s2  }
0x8f: {  	_ = 	snop  }
0x90: {  	s2 =	sld [smem:$0x3FD0];
	(tm) =	ssettm $0x1  }
0x91: {  	s18 =	sld [smem:$0x3FFB];
	_ =	sdelay $0x3  }
0x92: {  	_ =	strace s18  }
0x93: {  	s3 =	sld [smem:$0x3FFC];
	_ =	sdelay $0x3  }
0x94: {  	_ =	strace s3  }
0x95: {  	s3 =	sld [smem:$0x3FFD];
	_ =	sdelay $0x3  }
0x96: {  	_ =	strace s3  }
0x97: {  	_ =	strace $0x8FFFFFFF  }
0x98: {  	s19 =	sld [smem:$0x3FDB];
	_ =	sdelay $0x1  }
0x99: {  	s4 =	simm.s32 $_scs_section_size  }
0x9a: {  	s5 =	simm.s32 $_size__tile_overlayer_lowered;
	s6 =	simm.s32 $_tile_overlayer_lowered  }
0x9b: {  	s22 =	simm.s32 $0x1BFF;
	s21 =	sshll.u32 s6, $0x1;
	s3 =	sadd.s32 s4, s19  }
0x9c: {  	s7 =	simm.s32 $0x0;
	s20 =	sshll.u32 s5, $0x1;
	s5 =	sadd.s32 s21, s3  }
0x9d: {  	[timem:s7], [sflag:s22] =	dma.local [hbm:s5], s20  }
0x9e: {  	_ =	swait.ge [sflag:s22], s20  }
0x9f: {  	s4 =	ssub.s32 $0x0, s20;
	[sflag:s22] =	ssyncset.done $0x0  }
0xa0: {  	[sflag:s22] =	ssyncadd.s32 s4;
	_ =	sdelay $0x1  }
0xa1: {  	s23 =	simm.s32 $0x1B8B  }
0xa2: {  	_ =	swait.ge [sflag:s23], $0x1  }
0xa3: {  	[sflag:s23] =	ssyncset.done $0x0  }
0xa4: {  	s25 =	simm.s32 $0x1B8E;
	s24 =	sld [smem:$0x3FFE];
	[sflag:s23] =	ssyncadd.s32 $0xFFFFFFFF  }
0xa5: {  	s26 =	simm.s32 $execute0_lowered;
	[smem:$0x3FD2] =	sst s25  }
0xa6: {  	s5 =	sshll.u32 s26, $0x1;
	_ =	strace $0x80000049;
	[dreg:$0x1] =	wrdreg $0xFFFFFFFF  }
0xa7: {  	s28 =	simm.s32 $_size_execute0_lowered;
	s3 =	sadd.s32 s3, s5;
	[dreg:$0x0] =	wrdreg $0x0  }
0xa8: {  	s5 =	sshll.u32 s28, $0x1;
	[dreg:$0x2] =	wrdreg s3  }
0xa9: {  	[dreg:$0x3] =	wrdreg s5  }
0xaa: {  	[dreg:$0x4] =	wrdreg $0xC0  }
0xab: {  	_ =	task [dreg:s7], $0x5FFFF  }
0xac: {  	[dreg:$0x1] =	wrdreg $0xFFFFFFFF  }
0xad: {  	[dreg:$0x0] =	wrdreg $0x60  }
0xae: {  	[dreg:$0x2] =	wrdreg s24  }
0xaf: {  	[dreg:$0x3] =	wrdreg s2  }
0xb0: {  	[dreg:$0x4] =	wrdreg $0xDE000  }
0xb1: {  	[dreg:$0x5] =	wrdreg $0x9  }
0xb2: {  	_ =	task.clear_ibuf [dreg:s7], $0x6FFFF;
	_ =	strace $0x90000049  }
0xb3: {  	s29 =	simm.s32 $0x9;
	_ =	strace $0x8000004B  }
0xb4: {  	_ =	swait.ge [sflag:s29], $0x1  }
0xb5: {  	[sflag:s29] =	ssyncadd.s32 $0xFFFFFFFF  }
0xb6: {  	_ =	strace $0x9000004B  }
0xb7: {  	_ =	sfence  }
0xb8: {  	s30 =	sld [smem:$0x0];
	_ =	sdelay $0x2  }
0xb9: {  	s31 =	sshll.u32 s1, $0xD;
	s1 =	sshrl.u32 s1, $0x2  }
0xba: {  	s3 =	sand.u32 $0x4000, s31;
	s1 =	sadd.s32 s1, s30  }
0xbb: {  	s0 =	sor.u32 s3, s0;
	s1 =	sshll.u32 s1, $0x11  }
0xbc: {  	s0 =	sor.u32 s1, s0  }
0xbd: {  	s0 =	sadd.s32 $0x8F2B, s0  }
0xbe: {  	[sflag:s0] =	ssyncadd.remote.s32 $0x1  }
0xbf: {  	_ =	sfence.sel $0xFFFF  }
0xc0: {  	[dreg:$0x0] =	wrdreg $0xFFFFFFFF;
	(pc) =	sbr.abs _section_cstart, $3  }
0xc1: {  	[dreg:$0x1] =	wrdreg $0xFFFFFFFF  }
0xc2: {  	_ =	task.clear_ibuf [dreg:s7], $0x2FFFF;
	_ =	strace $0x9FFFFFFF  }
0xc3: {  	(tm) =	ssettm $0x7FFFFFFF  }
tec
execute0_lowered:
.L_overlay_start_1:
0x0: {  	(tag) =	ssettag $0x1  }
0x1: {  	s5 =	rddreg [dreg:$0x0]  }
0x2: {  	s7 =	rddreg [dreg:$0x1]  }
0x3: {  	s0 =	stileid.u32;
	s1 =	srdreg.scid  }
0x4: {  	s2 =	rddreg [dreg:$0x2];
	s3 =	simm.s32 $0x0;
	s14 =	simm.s32 $0x80  }
0x5: {  	s15 =	simm.s32 $0x9E00;
	s16 =	simm.s32 $0xBE00;
	s17 =	simm.s32 $0x1  }
0x6: {  	s18 =	simm.s32 $0x2;
	s19 =	simm.s32 $0x4E80;
	s20 =	simm.s32 $0x9D00  }
0x7: {  	s21 =	simm.s32 $0x9D80;
	s22 =	simm.s32 $0x0;
	s6 =	smul.u32 $0x9E0, s0  }
0x8: {  	s8 =	sand.u32 $0x1, s1;
	s1 =	rddreg [dreg:$0x3];
	s10 =	smul.u32 $0x280, s0  }
0x9: {  	[smem:$0x7FF] =	sst s3;
	s4 =	sadd.s32 $0x15000, s5;
	s25 =	smul.u32 $0x28000, s0  }
0xa: {  	s31 =	sshll.u32 s0, $0x6;
	s9 =	smul.u32 $0x2800, s8;
	_ =	strace $0x8000004A  }
0xb: {  	s26 =	sshll.u32 s8, $0x4;
	s28 =	ssub.s32 $0x2, s8;
	s11 =	sadd.s32 s6, s5  }
0xc: {  	s29 =	sor.u32 s0, s26;
	s30 =	sshrl.u32 s28, $0x1;
	s24 =	sadd.s32 s10, s9  }
0xd: {  	s9 =	sshrl.u32 s25, $0x2;
	s8 =	smul.u32 $0x9E0, s29;
	s10 =	ssub.s32 s28, s30  }
0xe: {  	s6 =	sshll.u32 s24, $0x3;
	s13 =	sadd.s32 s9, s2;
	s10 =	smax.u32 s10, $0x1  }
0xf: {  	s12 =	sadd.s32 s6, s5;
	s5 =	sadd.s32 s4, s6;
	s6 =	sor.u32 $0x1C03, s31  }
0x10: {  	s7 =	sadd.s32 s7, s8;
	s8 =	sadd.s32 $0xB200, s11;
	s11 =	sshrl.u32 s13, $0x3  }
0x11: {  	s13 =	simm.s32 $0x4F00;
	s9 =	sadd.s32 $0x3D000, s12;
	s12 =	simm.s32 $0x3  }
.LBB2_1:
0x12: {  	[spmem:s11], [sflag:s6] =	dma.local [hbm:s5], $0x1400  }
0x13: {  	_ =	swait.ge [sflag:s12], $0x1400  }
0x14: {  	[sflag:s12] =	ssyncset.done $0x0  }
0x15: {  	[sflag:s12] =	ssyncadd.s32 $0xFFFFEC00  }
0x16: {  	[tilespmem:s3], [sflag:$0x3] =	stream.linear.gather [hbm4b:s7+s3], $0x4F00, $0x38;
	[tilespmem:$0x17E00] =	vst v63  }
0x17: {  	_ =	swait.ge [sflag:s12], $0x4F00  }
0x18: {  	[sflag:s12] =	ssyncset.done $0x0  }
0x19: {  	[sflag:s12] =	ssyncadd.s32 $0xFFFFB100  }
0x1a: {  	[tilespmem:s13], [sflag:$0x3] =	stream.linear.gather [hbm4b:s8+s3], $0x4F00, $0x38;
	[tilespmem:$0x17E00] =	vst v63  }
0x1b: {  	_ =	swait.ge [sflag:s12], $0x4F00  }
0x1c: {  	[sflag:s12] =	ssyncset.done $0x0  }
0x1d: {  	[sflag:s12] =	ssyncadd.s32 $0xFFFFB100  }
0x1e: {  	[bflag:$0x0] =	sbarrier.arrive $0xFFFF  }
0x1f: {  	[tilespmem:s15], [sflag:$0x1] =	stream.indirect.gather [hbm4b:s4+s14], $0x40, s3, s14, $0xb8;
	[tilespmem:$0x17E00] =	vst v63  }
0x20: {  	s23 =	simm.s32 $0x80  }
0x21: {  	[tilespmem:s16], [sflag:$0x2] =	stream.indirect.gather [hbm4b:s4+s14], $0x40, s23, s14, $0xb8;
	[tilespmem:$0x17E00] =	vst v63  }
0x22: {  	_ =	swait.ge [sflag:s17], $0x2000  }
0x23: {  	[sflag:s17] =	ssyncset.done $0x0  }
0x24: {  	s29 =	simm.s32 $0x4F00;
	[sflag:s17] =	ssyncadd.s32 $0xFFFFE000  }
0x25: {  	[spmem:s2] =	stream.indirect.scatter.add.f32 [tilespmem:s15], [sflag:$0x3], $0x40, s29, s14, $0xb8;
	[tilespmem:$0x17E00] =	vst v63  }
0x26: {  	_ =	swait.ge [sflag:s12], $0x2000  }
0x27: {  	[sflag:s12] =	ssyncset.done $0x0  }
0x28: {  	s30 =	simm.s32 $0x100;
	[sflag:s12] =	ssyncadd.s32 $0xFFFFE000  }
0x29: {  	[tilespmem:s15], [sflag:$0x1] =	stream.indirect.gather [hbm4b:s4+s14], $0x40, s30, s14, $0xb8;
	[tilespmem:$0x17E00] =	vst v63  }
0x2a: {  	_ =	swait.ge [sflag:s18], $0x2000  }
0x2b: {  	[sflag:s18] =	ssyncset.done $0x0  }
0x2c: {  	s31 =	simm.s32 $0x4F80;
	[sflag:s18] =	ssyncadd.s32 $0xFFFFE000  }
0x2d: {  	[spmem:s2] =	stream.indirect.scatter.add.f32 [tilespmem:s16], [sflag:$0x3], $0x40, s31, s14, $0xb8;
	[tilespmem:$0x17E00] =	vst v63  }
0x2e: {  	_ =	swait.ge [sflag:s12], $0x2000  }
0x2f: {  	s24 =	simm.s32 $0x800;
	s23 =	simm.s32 $0x100;
	[sflag:s12] =	ssyncset.done $0x0  }
.LBB2_2:
0x30: {  	s25 =	sadd.s32 $0x80, s23  }
0x31: {  	[sflag:s12] =	ssyncadd.s32 $0xFFFFE000;
	s26 =	smov.u32 s24;
	s28 =	sadd.s32 $0x400, s24  }
0x32: {  	[tilespmem:s16], [sflag:$0x2] =	stream.indirect.gather [hbm4b:s4+s14], $0x40, s25, s14, $0xb8;
	[tilespmem:$0x17E00] =	vst v63  }
0x33: {  	p0 =	sne.s32 s24, $0x13400;
	_ =	swait.ge [sflag:s17], $0x2000  }
0x34: {  	[sflag:s17] =	ssyncset.done $0x0  }
0x35: {  	s24 =	sadd.s32 $0x4F00, s23;
	[sflag:s17] =	ssyncadd.s32 $0xFFFFE000  }
0x36: {  	[spmem:s2] =	stream.indirect.scatter.add.f32 [tilespmem:s15], [sflag:$0x3], $0x40, s24, s14, $0xb8;
	[tilespmem:$0x17E00] =	vst v63  }
0x37: {  	_ =	swait.ge [sflag:s12], $0x2000  }
0x38: {  	[sflag:s12] =	ssyncset.done $0x0  }
0x39: {  	s24 =	sadd.s32 $0x100, s23;
	[sflag:s12] =	ssyncadd.s32 $0xFFFFE000  }
0x3a: {  	[tilespmem:s15], [sflag:$0x1] =	stream.indirect.gather [hbm4b:s4+s14], $0x40, s24, s14, $0xb8;
	[tilespmem:$0x17E00] =	vst v63  }
0x3b: {  	_ =	swait.ge [sflag:s18], $0x2000  }
.Ltmp0:
0x3c: {  	[sflag:s18] =	ssyncset.done $0x0;
	(pc) =	sbr.rel @p0 .LBB2_2-.Ltmp0, $4  }
0x3d: {  	s23 =	sadd.s32 $0x4F80, s23;
	[sflag:s18] =	ssyncadd.s32 $0xFFFFE000  }
0x3e: {  	[spmem:s2] =	stream.indirect.scatter.add.f32 [tilespmem:s16], [sflag:$0x3], $0x40, s23, s14, $0xb8;
	[tilespmem:$0x17E00] =	vst v63  }
0x3f: {  	_ =	swait.ge [sflag:s12], $0x2000  }
0x40: {  	s24 =	smov.u32 s28;
	s23 =	sshra.s32 s26, $0x2;
	[sflag:s12] =	ssyncset.done $0x0  }
0x41: {  	s24 =	sadd.s32 $0x80, s23;
	[sflag:s12] =	ssyncadd.s32 $0xFFFFE000  }
0x42: {  	[tilespmem:s16], [sflag:$0x2] =	stream.indirect.gather [hbm4b:s4+s14], $0x40, s24, s14, $0xb8;
	[tilespmem:$0x17E00] =	vst v63  }
0x43: {  	_ =	swait.ge [sflag:s17], $0x2000  }
0x44: {  	[sflag:s17] =	ssyncset.done $0x0  }
0x45: {  	s29 =	sadd.s32 $0x4F00, s23;
	[sflag:s17] =	ssyncadd.s32 $0xFFFFE000  }
0x46: {  	[spmem:s2] =	stream.indirect.scatter.add.f32 [tilespmem:s15], [sflag:$0x3], $0x40, s29, s14, $0xb8;
	[tilespmem:$0x17E00] =	vst v63  }
0x47: {  	_ =	swait.ge [sflag:s12], $0x2000  }
0x48: {  	[sflag:s12] =	ssyncset.done $0x0  }
0x49: {  	s30 =	sadd.s32 $0x100, s23;
	[sflag:s12] =	ssyncadd.s32 $0xFFFFE000  }
0x4a: {  	[tilespmem:s15], [sflag:$0x1] =	stream.indirect.gather [hbm4b:s4+s14], $0x40, s30, s14, $0xb8;
	[tilespmem:$0x17E00] =	vst v63  }
0x4b: {  	_ =	swait.ge [sflag:s18], $0x2000  }
0x4c: {  	[sflag:s18] =	ssyncset.done $0x0  }
0x4d: {  	s31 =	sadd.s32 $0x4F80, s23;
	[sflag:s18] =	ssyncadd.s32 $0xFFFFE000  }
0x4e: {  	[spmem:s2] =	stream.indirect.scatter.add.f32 [tilespmem:s16], [sflag:$0x3], $0x40, s31, s14, $0xb8;
	[tilespmem:$0x17E00] =	vst v63  }
0x4f: {  	_ =	swait.ge [sflag:s12], $0x2000  }
0x50: {  	[sflag:s12] =	ssyncset.done $0x0  }
0x51: {  	[sflag:s12] =	ssyncadd.s32 $0xFFFFE000  }
0x52: {  	[tilespmem:s16], [sflag:$0x2] =	stream.indirect.gather [hbm4b:s4+s14], $0x40, s19, s14, $0xb8;
	[tilespmem:$0x17E00] =	vst v63  }
0x53: {  	_ =	swait.ge [sflag:s17], $0x2000  }
0x54: {  	[sflag:s17] =	ssyncset.done $0x0  }
0x55: {  	[sflag:s17] =	ssyncadd.s32 $0xFFFFE000  }
0x56: {  	[spmem:s2] =	stream.indirect.scatter.add.f32 [tilespmem:s15], [sflag:$0x3], $0x40, s20, s14, $0xb8;
	[tilespmem:$0x17E00] =	vst v63  }
0x57: {  	_ =	swait.ge [sflag:s12], $0x2000  }
0x58: {  	[sflag:s12] =	ssyncset.done $0x0  }
0x59: {  	[sflag:s12] =	ssyncadd.s32 $0xFFFFE000  }
0x5a: {  	_ =	swait.ge [sflag:s18], $0x2000  }
0x5b: {  	[sflag:s18] =	ssyncset.done $0x0  }
0x5c: {  	[sflag:s18] =	ssyncadd.s32 $0xFFFFE000  }
0x5d: {  	[spmem:s2] =	stream.indirect.scatter.add.f32 [tilespmem:s16], [sflag:$0x3], $0x40, s21, s14, $0xb8;
	[tilespmem:$0x17E00] =	vst v63  }
0x5e: {  	_ =	swait.ge [sflag:s12], $0x2000  }
0x5f: {  	s22 =	sadd.s32 $0x1, s22;
	[sflag:s12] =	ssyncset.done $0x0  }
0x60: {  	p0 =	sne.s32 s22, s10;
	[sflag:s12] =	ssyncadd.s32 $0xFFFFE000  }
.Ltmp1:
0x61: {  	[bflag:$0x0] =	sbarrier.arrive $0xFFFF;
	(pc) =	sbr.rel @p0 .LBB2_1-.Ltmp1, $4  }
0x62: {  	[hbm:s9], [sflag:s6] =	dma.local [spmem:s11], $0x1400  }
0x63: {  	_ =	swait.ge [sflag:s12], $0x1400  }
0x64: {  	[sflag:s12] =	ssyncset.done $0x0  }
0x65: {  	[sflag:s12] =	ssyncadd.s32 $0xFFFFEC00  }
0x66: {  	_ =	sfence.sel $0x180000  }
0x67: {  	[bflag:$0x0] =	sbarrier.arrive $0xFFFF  }
0x68: {  	p0 =	sne.s32 s0, $0x0;
	_ =	strace $0x9000004A  }
0x69: {  	s0 =	sadd.s32 @!p0 $0x100000, s1;
	[bflag:$0x2] =	sbarrier.arrive $0xFFFF  }
0x6a: {  	[sflag:s0] =	ssyncadd.tile.s32 @!p0 $0x1;
	_ =	shalt  }
.Lfunc_end2:
_tile_overlayer_lowered:
.L_overlay_start_2:
0x6b: {  	(tag) =	ssettag $0x2  }
0x6c: {  	s0 =	rddreg [dreg:$0x0];
	s2 =	stileid.u32  }
0x6d: {  	s1 =	rddreg [dreg:$0x1];
	p0 =	sne.s32 s2, $0x0  }
0x6e: {  	s3 =	rddreg [dreg:$0x2];
	[bflag:$0x3] =	sbarrier.arrive $0xFFFF;
	s2 =	simm.s32 @!p0 $0x1C03  }
0x6f: {  	[timem:s3], [sflag:s2] =	dma.local @!p0 [hbm:s0], s1  }
0x70: {  	s0 =	simm.s32 @!p0 $0x3  }
0x71: {  	_ =	swait.ge @!p0 [sflag:s0], s1  }
0x72: {  	s1 =	ssub.s32 @!p0 $0x0, s1;
	[sflag:s0] =	ssyncset.done @!p0 $0x0  }
0x73: {  	[sflag:s0] =	ssyncadd.s32 @!p0 s1  }
0x74: {  	[bflag:$0x3] =	sbarrier.arrive $0xFFFF  }
0x75: {  	_ =	shalt  }

// kernel: kernel.14.cloned.1.call-start
scs
__scs_entry_jumppad:
0x0: {  	(pc) =	sbr.rel $0x88, $3  }
0x1: {  	(tag) =	ssettag $0x0;
	lr =	simm.s32 $0x1  }
0x2: {  	[smem:$0x3F9B] =	sst lr;
	_ =	strace $0xD0000000  }
0x3: {  	_ = 	snop  }
0x4: {  	_ = 	snop  }
0x5: {  	_ = 	snop  }
0x6: {  	_ = 	snop  }
0x7: {  	_ = 	snop  }
__scs_overlays_trampoline_lowered:
0x8: {  	[smem:$0x3FAA] =	sst s0  }
0x9: {  	[smem:$0x3FAB] =	sst s1  }
0xa: {  	[smem:$0x3FAC] =	sst s2  }
0xb: {  	[smem:$0x3FAD] =	sst s3  }
0xc: {  	[smem:$0x3FAE] =	sst s4  }
0xd: {  	[smem:$0x3FAF] =	sst s5  }
0xe: {  	[smem:$0x3FB0] =	sst s6  }
0xf: {  	[smem:$0x3FB1] =	sst s7  }
0x10: {  	[smem:$0x3FB2] =	sst s8  }
0x11: {  	[smem:$0x3FB3] =	sst s9;
	s0 =	simm.s32 @!p0 $0x0  }
0x12: {  	s1 =	sld [smem:$0x3F99];
	s0 =	simm.s32 @p0 $0x1  }
0x13: {  	[smem:$0x3FB4] =	sst s0;
	s0 =	simm.s32 @!p1 $0x0  }
0x14: {  	s2 =	sld [smem:$0x3F98];
	s0 =	simm.s32 @p1 $0x1  }
0x15: {  	[smem:$0x3FB5] =	sst s0;
	s0 =	simm.s32 @!p2 $0x0  }
0x16: {  	s3 =	sld [smem:$0x3FDB];
	s0 =	simm.s32 @p2 $0x1  }
0x17: {  	s4 =	simm.s32 $0x1BF5;
	[smem:$0x3FB7] =	sst s0  }
0x18: {  	s0 =	sld [smem:$0x3F9A];
	_ =	swait.ge [sflag:s4], $0x0  }
0x19: {  	s7 =	sld [smem:$0x3F9B]  }
0x1a: {  	s8 =	sadd.s32 $0xFFFFE003, lr  }
0x1b: {  	s9 =	sadd.s32 $0xFFFFFEF7, lr;
	s5 =	simm.s32 $0xFFFFFFFF;
	p2 =	slt.u32 s8, $0xFFFFF086  }
0x1c: {  	p1 =	slt.u32 s9, $0xF7A;
	s5 =	simm.s32 @!p2 $0x0  }
0x1d: {  	s5 =	simm.s32 @p1 $0x1;
	p0 =	seq.s32 s7, s2  }
0x1e: {  	s7 =	smul.u32 @!p0 $0xF7A, s2;
	p2 =	seq.s32 @!p0 s5, $0x0  }
0x1f: {  	s9 =	smul.u32 $0xF7A, s1;
	s8 =	simm.s32 @!p0 $0x1BF5;
	p2 =	por !p2, p0  }
0x20: {  	[sflag:s8] =	ssyncset.s32 @!p0 $0xFFFFF086;
	s6 =	sadd.s32 @!p0 s3, s7;
	s7 =	simm.s32 @!p0 $0x108  }
0x21: {  	s3 =	sadd.s32 s3, s9;
	s6 =	sadd.s32 @!p0 $0x88, s6;
	s7 =	simm.s32 @p2 $0x1082  }
0x22: {  	[simem:s7], [sflag:s8] =	dma.local @!p0 [hbm:s6], $0xF7A  }
0x23: {  	s9 =	sor.u32 $0xD0000000, s2;
	s6 =	simm.s32 $0x108;
	_ =	swait.ge @!p0 [sflag:s8], $0x0  }
0x24: {  	s3 =	sadd.s32 $0x88, s3;
	s6 =	simm.s32 @!p1 $0x1082;
	[sflag:s4] =	ssyncset.s32 $0xFFFFF086  }
0x25: {  	[simem:s6], [sflag:s4] =	dma.local [hbm:s3], $0xF7A  }
0x26: {  	[smem:$0x3F9B] =	sst s1;
	(tag) =	ssettag s2;
	_ =	strace s9  }
0x27: {  	s1 =	sld [smem:$0x3FAB]  }
0x28: {  	s2 =	sld [smem:$0x3FAC]  }
0x29: {  	s4 =	sld [smem:$0x3FAE]  }
0x2a: {  	p0 =	seq.s32 s5, $0x0;
	s5 =	sld [smem:$0x3FAF]  }
0x2b: {  	s6 =	sld [smem:$0x3FB0]  }
0x2c: {  	s7 =	sld [smem:$0x3FB1]  }
0x2d: {  	s3 =	simm.s32 $0x108;
	s8 =	sld [smem:$0x3FB2]  }
0x2e: {  	s3 =	simm.s32 @!p0 $0x1082;
	s9 =	sld [smem:$0x3FB3]  }
0x2f: {  	lr =	sadd.s32 s0, s3;
	s0 =	sld [smem:$0x3FAA]  }
0x30: {  	s3 =	sld [smem:$0x3FAD]  }
0x31: {  	[smem:$0x3FB6] =	sst s10  }
0x32: {  	s10 =	sld [smem:$0x3FB4];
	_ =	sdelay $0x3  }
0x33: {  	p0 =	seq.s32 s10, $0x1;
	s10 =	sld [smem:$0x3FB6];
	_ =	sdelay $0x3  }
0x34: {  	[smem:$0x3FB6] =	sst s10  }
0x35: {  	s10 =	sld [smem:$0x3FB5];
	_ =	sdelay $0x3  }
0x36: {  	p1 =	seq.s32 s10, $0x1;
	s10 =	sld [smem:$0x3FB6];
	_ =	sdelay $0x3  }
0x37: {  	[smem:$0x3FB6] =	sst s10  }
0x38: {  	s10 =	sld [smem:$0x3FB7]  }
0x39: {  	_ = 	snop;
	(pc) =	sbr.ind lr, $3  }
0x3a: {  	_ = 	snop  }
0x3b: {  	_ = 	snop  }
0x3c: {  	p2 =	seq.s32 s10, $0x1;
	s10 =	sld [smem:$0x3FB6]  }
0x3d: {  	_ =	shalt  }
0x3e: {  	_ =	shalt  }
0x3f: {  	_ =	shalt  }
0x40: {  	_ =	shalt  }
0x41: {  	_ =	shalt  }
0x42: {  	_ =	shalt  }
0x43: {  	_ =	shalt  }
0x44: {  	_ =	shalt  }
0x45: {  	_ =	shalt  }
0x46: {  	_ =	shalt  }
0x47: {  	_ =	shalt  }
0x48: {  	_ =	shalt  }
0x49: {  	_ =	shalt  }
0x4a: {  	_ =	shalt  }
0x4b: {  	_ =	shalt  }
0x4c: {  	_ =	shalt  }
0x4d: {  	_ =	shalt  }
0x4e: {  	_ =	shalt  }
0x4f: {  	_ =	shalt  }
0x50: {  	_ =	shalt  }
0x51: {  	_ =	shalt  }
0x52: {  	_ =	shalt  }
0x53: {  	_ =	shalt  }
0x54: {  	_ =	shalt  }
0x55: {  	_ =	shalt  }
0x56: {  	_ =	shalt  }
0x57: {  	_ =	shalt  }
0x58: {  	_ =	shalt  }
0x59: {  	_ =	shalt  }
0x5a: {  	_ =	shalt  }
0x5b: {  	_ =	shalt  }
0x5c: {  	_ =	shalt  }
0x5d: {  	_ =	shalt  }
0x5e: {  	_ =	shalt  }
0x5f: {  	_ =	shalt  }
0x60: {  	_ =	shalt  }
0x61: {  	_ =	shalt  }
0x62: {  	_ =	shalt  }
0x63: {  	_ =	shalt  }
0x64: {  	_ =	shalt  }
0x65: {  	_ =	shalt  }
0x66: {  	_ =	shalt  }
0x67: {  	_ =	shalt  }
0x68: {  	_ =	shalt  }
0x69: {  	_ =	shalt  }
0x6a: {  	_ =	shalt  }
0x6b: {  	_ =	shalt  }
0x6c: {  	_ =	shalt  }
0x6d: {  	_ =	shalt  }
0x6e: {  	_ =	shalt  }
0x6f: {  	_ =	shalt  }
0x70: {  	_ =	shalt  }
0x71: {  	_ =	shalt  }
0x72: {  	_ =	shalt  }
0x73: {  	_ =	shalt  }
0x74: {  	_ =	shalt  }
0x75: {  	_ =	shalt  }
0x76: {  	_ =	shalt  }
0x77: {  	_ =	shalt  }
0x78: {  	_ =	shalt  }
0x79: {  	_ =	shalt  }
0x7a: {  	_ =	shalt  }
0x7b: {  	_ =	shalt  }
0x7c: {  	_ =	shalt  }
0x7d: {  	_ =	shalt  }
0x7e: {  	_ =	shalt  }
0x7f: {  	_ =	shalt  }
0x80: {  	_ =	shalt  }
0x81: {  	_ =	shalt  }
0x82: {  	_ =	shalt  }
0x83: {  	_ =	shalt  }
0x84: {  	_ =	shalt  }
0x85: {  	_ =	shalt  }
0x86: {  	_ =	shalt  }
0x87: {  	_ =	shalt  }
.Lfunc_end0:
.L_simem_size_0:
called_computation.2_lowered:
.L_overlay_start_0:
0x88: {  	s2 =	sld [smem:$0x3FD9]  }
0x89: {  	s3 =	sld [smem:$0x3FFE];
	_ =	sdelay $0x1  }
0x8a: {  	s1 =	srdreg.scid  }
0x8b: {  	s0 =	sand.u32 $0x1, s1  }
0x8c: {  	s17 =	sshll.u32 s0, $0xA;
	s2 =	sadd.s32 s3, s2  }
0x8d: {  	s2 =	sadd.s32 s2, s17  }
0x8e: {  	[smem:$0x3FC2] =	sst s2  }
0x8f: {  	_ = 	snop  }
0x90: {  	s2 =	sld [smem:$0x3FD0];
	(tm) =	ssettm $0x1  }
0x91: {  	s18 =	sld [smem:$0x3FFB];
	_ =	sdelay $0x3  }
0x92: {  	_ =	strace s18  }
0x93: {  	s3 =	sld [smem:$0x3FFC];
	_ =	sdelay $0x3  }
0x94: {  	_ =	strace s3  }
0x95: {  	s3 =	sld [smem:$0x3FFD];
	_ =	sdelay $0x3  }
0x96: {  	_ =	strace s3  }
0x97: {  	_ =	strace $0x8FFFFFFF  }
0x98: {  	s19 =	sld [smem:$0x3FDB];
	_ =	sdelay $0x1  }
0x99: {  	s4 =	simm.s32 $_scs_section_size  }
0x9a: {  	s5 =	simm.s32 $_size__tile_overlayer_lowered;
	s6 =	simm.s32 $_tile_overlayer_lowered  }
0x9b: {  	s22 =	simm.s32 $0x1BFF;
	s21 =	sshll.u32 s6, $0x1;
	s3 =	sadd.s32 s4, s19  }
0x9c: {  	s7 =	simm.s32 $0x0;
	s20 =	sshll.u32 s5, $0x1;
	s5 =	sadd.s32 s21, s3  }
0x9d: {  	[timem:s7], [sflag:s22] =	dma.local [hbm:s5], s20  }
0x9e: {  	_ =	swait.ge [sflag:s22], s20  }
0x9f: {  	s4 =	ssub.s32 $0x0, s20;
	[sflag:s22] =	ssyncset.done $0x0  }
0xa0: {  	[sflag:s22] =	ssyncadd.s32 s4;
	_ =	sdelay $0x1  }
0xa1: {  	s23 =	simm.s32 $0x1B8B  }
0xa2: {  	_ =	swait.ge [sflag:s23], $0x1  }
0xa3: {  	[sflag:s23] =	ssyncset.done $0x0  }
0xa4: {  	s25 =	simm.s32 $0x1B8E;
	s24 =	sld [smem:$0x3FFE];
	[sflag:s23] =	ssyncadd.s32 $0xFFFFFFFF  }
0xa5: {  	s26 =	simm.s32 $execute0_lowered;
	[smem:$0x3FD2] =	sst s25  }
0xa6: {  	s5 =	sshll.u32 s26, $0x1;
	_ =	strace $0x8000004C;
	[dreg:$0x1] =	wrdreg $0xFFFFFFFF  }
0xa7: {  	s28 =	simm.s32 $_size_execute0_lowered;
	s3 =	sadd.s32 s3, s5;
	[dreg:$0x0] =	wrdreg $0x0  }
0xa8: {  	s5 =	sshll.u32 s28, $0x1;
	[dreg:$0x2] =	wrdreg s3  }
0xa9: {  	[dreg:$0x3] =	wrdreg s5  }
0xaa: {  	[dreg:$0x4] =	wrdreg $0xC0  }
0xab: {  	_ =	task [dreg:s7], $0x5FFFF  }
0xac: {  	[dreg:$0x1] =	wrdreg $0xFFFFFFFF  }
0xad: {  	[dreg:$0x0] =	wrdreg $0x60  }
0xae: {  	[dreg:$0x2] =	wrdreg s24  }
0xaf: {  	[dreg:$0x3] =	wrdreg s2  }
0xb0: {  	[dreg:$0x4] =	wrdreg $0xBE000  }
0xb1: {  	[dreg:$0x5] =	wrdreg $0x9  }
0xb2: {  	_ =	task.clear_ibuf [dreg:s7], $0x6FFFF;
	_ =	strace $0x9000004C  }
0xb3: {  	s29 =	simm.s32 $0x9;
	_ =	strace $0x8000004E  }
0xb4: {  	_ =	swait.ge [sflag:s29], $0x1  }
0xb5: {  	[sflag:s29] =	ssyncadd.s32 $0xFFFFFFFF  }
0xb6: {  	_ =	strace $0x9000004E  }
0xb7: {  	_ =	sfence  }
0xb8: {  	s30 =	sld [smem:$0x0];
	_ =	sdelay $0x2  }
0xb9: {  	s31 =	sshll.u32 s1, $0xD;
	s1 =	sshrl.u32 s1, $0x2  }
0xba: {  	s3 =	sand.u32 $0x4000, s31;
	s1 =	sadd.s32 s1, s30  }
0xbb: {  	s0 =	sor.u32 s3, s0;
	s1 =	sshll.u32 s1, $0x11  }
0xbc: {  	s0 =	sor.u32 s1, s0  }
0xbd: {  	s0 =	sadd.s32 $0x8F2B, s0  }
0xbe: {  	[sflag:s0] =	ssyncadd.remote.s32 $0x1  }
0xbf: {  	_ =	sfence.sel $0xFFFF  }
0xc0: {  	[dreg:$0x0] =	wrdreg $0xFFFFFFFF;
	(pc) =	sbr.abs _section_cstart, $3  }
0xc1: {  	[dreg:$0x1] =	wrdreg $0xFFFFFFFF  }
0xc2: {  	_ =	task.clear_ibuf [dreg:s7], $0x2FFFF;
	_ =	strace $0x9FFFFFFF  }
0xc3: {  	(tm) =	ssettm $0x7FFFFFFF  }
tec
execute0_lowered:
.L_overlay_start_1:
0x0: {  	(tag) =	ssettag $0x1  }
0x1: {  	s5 =	rddreg [dreg:$0x0]  }
0x2: {  	s7 =	rddreg [dreg:$0x1]  }
0x3: {  	s0 =	stileid.u32;
	s1 =	srdreg.scid  }
0x4: {  	s2 =	rddreg [dreg:$0x2];
	s3 =	simm.s32 $0x0;
	s14 =	simm.s32 $0x80  }
0x5: {  	s15 =	simm.s32 $0x9E00;
	s16 =	simm.s32 $0xAE00;
	s17 =	simm.s32 $0x1  }
0x6: {  	s18 =	simm.s32 $0x2;
	s19 =	simm.s32 $0x4E80;
	s20 =	simm.s32 $0x9D00  }
0x7: {  	s21 =	simm.s32 $0x9D80;
	s22 =	simm.s32 $0x0;
	s6 =	smul.u32 $0x9E0, s0  }
0x8: {  	s8 =	sand.u32 $0x1, s1;
	s1 =	rddreg [dreg:$0x3];
	s10 =	smul.u32 $0x280, s0  }
0x9: {  	[smem:$0x7FF] =	sst s3;
	s4 =	sadd.s32 $0x15000, s5;
	s25 =	smul.u32 $0x14000, s0  }
0xa: {  	s31 =	sshll.u32 s0, $0x6;
	s9 =	smul.u32 $0x2800, s8;
	_ =	strace $0x8000004D  }
0xb: {  	s26 =	sshll.u32 s8, $0x4;
	s28 =	ssub.s32 $0x2, s8;
	s11 =	sadd.s32 s6, s5  }
0xc: {  	s29 =	sor.u32 s0, s26;
	s30 =	sshrl.u32 s28, $0x1;
	s24 =	sadd.s32 s10, s9  }
0xd: {  	s9 =	sshrl.u32 s25, $0x2;
	s8 =	smul.u32 $0x9E0, s29;
	s10 =	ssub.s32 s28, s30  }
0xe: {  	s6 =	sshll.u32 s24, $0x2;
	s13 =	sadd.s32 s9, s2;
	s10 =	smax.u32 s10, $0x1  }
0xf: {  	s12 =	sadd.s32 s6, s5;
	s5 =	sadd.s32 s4, s6;
	s6 =	sor.u32 $0x1C03, s31  }
0x10: {  	s7 =	sadd.s32 s7, s8;
	s8 =	sadd.s32 $0xB200, s11;
	s11 =	sshrl.u32 s13, $0x3  }
0x11: {  	s13 =	simm.s32 $0x4F00;
	s9 =	sadd.s32 $0x29000, s12;
	s12 =	simm.s32 $0x3  }
.LBB2_1:
0x12: {  	[spmem:s11], [sflag:s6] =	dma.local [hbm:s5], $0xA00  }
0x13: {  	_ =	swait.ge [sflag:s12], $0xA00  }
0x14: {  	[sflag:s12] =	ssyncset.done $0x0  }
0x15: {  	[sflag:s12] =	ssyncadd.s32 $0xFFFFF600  }
0x16: {  	[tilespmem:s3], [sflag:$0x3] =	stream.linear.gather [hbm4b:s7+s3], $0x4F00, $0x38;
	[tilespmem:$0x10E00] =	vst v63  }
0x17: {  	_ =	swait.ge [sflag:s12], $0x4F00  }
0x18: {  	[sflag:s12] =	ssyncset.done $0x0  }
0x19: {  	[sflag:s12] =	ssyncadd.s32 $0xFFFFB100  }
0x1a: {  	[tilespmem:s13], [sflag:$0x3] =	stream.linear.gather [hbm4b:s8+s3], $0x4F00, $0x38;
	[tilespmem:$0x10E00] =	vst v63  }
0x1b: {  	_ =	swait.ge [sflag:s12], $0x4F00  }
0x1c: {  	[sflag:s12] =	ssyncset.done $0x0  }
0x1d: {  	[sflag:s12] =	ssyncadd.s32 $0xFFFFB100  }
0x1e: {  	[bflag:$0x0] =	sbarrier.arrive $0xFFFF  }
0x1f: {  	[tilespmem:s15], [sflag:$0x1] =	stream.indirect.gather [hbm4b:s4+s14], $0x20, s3, s14, $0xb8;
	[tilespmem:$0x10E00] =	vst v63  }
0x20: {  	s23 =	simm.s32 $0x80  }
0x21: {  	[tilespmem:s16], [sflag:$0x2] =	stream.indirect.gather [hbm4b:s4+s14], $0x20, s23, s14, $0xb8;
	[tilespmem:$0x10E00] =	vst v63  }
0x22: {  	_ =	swait.ge [sflag:s17], $0x1000  }
0x23: {  	[sflag:s17] =	ssyncset.done $0x0  }
0x24: {  	s29 =	simm.s32 $0x4F00;
	[sflag:s17] =	ssyncadd.s32 $0xFFFFF000  }
0x25: {  	[spmem:s2] =	stream.indirect.scatter.add.f32 [tilespmem:s15], [sflag:$0x3], $0x20, s29, s14, $0xb8;
	[tilespmem:$0x10E00] =	vst v63  }
0x26: {  	_ =	swait.ge [sflag:s12], $0x1000  }
0x27: {  	[sflag:s12] =	ssyncset.done $0x0  }
0x28: {  	s30 =	simm.s32 $0x100;
	[sflag:s12] =	ssyncadd.s32 $0xFFFFF000  }
0x29: {  	[tilespmem:s15], [sflag:$0x1] =	stream.indirect.gather [hbm4b:s4+s14], $0x20, s30, s14, $0xb8;
	[tilespmem:$0x10E00] =	vst v63  }
0x2a: {  	_ =	swait.ge [sflag:s18], $0x1000  }
0x2b: {  	[sflag:s18] =	ssyncset.done $0x0  }
0x2c: {  	s31 =	simm.s32 $0x4F80;
	[sflag:s18] =	ssyncadd.s32 $0xFFFFF000  }
0x2d: {  	[spmem:s2] =	stream.indirect.scatter.add.f32 [tilespmem:s16], [sflag:$0x3], $0x20, s31, s14, $0xb8;
	[tilespmem:$0x10E00] =	vst v63  }
0x2e: {  	_ =	swait.ge [sflag:s12], $0x1000  }
0x2f: {  	s24 =	simm.s32 $0x800;
	s23 =	simm.s32 $0x100;
	[sflag:s12] =	ssyncset.done $0x0  }
.LBB2_2:
0x30: {  	s25 =	sadd.s32 $0x80, s23  }
0x31: {  	[sflag:s12] =	ssyncadd.s32 $0xFFFFF000;
	s26 =	smov.u32 s24;
	s28 =	sadd.s32 $0x400, s24  }
0x32: {  	[tilespmem:s16], [sflag:$0x2] =	stream.indirect.gather [hbm4b:s4+s14], $0x20, s25, s14, $0xb8;
	[tilespmem:$0x10E00] =	vst v63  }
0x33: {  	p0 =	sne.s32 s24, $0x13400;
	_ =	swait.ge [sflag:s17], $0x1000  }
0x34: {  	[sflag:s17] =	ssyncset.done $0x0  }
0x35: {  	s24 =	sadd.s32 $0x4F00, s23;
	[sflag:s17] =	ssyncadd.s32 $0xFFFFF000  }
0x36: {  	[spmem:s2] =	stream.indirect.scatter.add.f32 [tilespmem:s15], [sflag:$0x3], $0x20, s24, s14, $0xb8;
	[tilespmem:$0x10E00] =	vst v63  }
0x37: {  	_ =	swait.ge [sflag:s12], $0x1000  }
0x38: {  	[sflag:s12] =	ssyncset.done $0x0  }
0x39: {  	s24 =	sadd.s32 $0x100, s23;
	[sflag:s12] =	ssyncadd.s32 $0xFFFFF000  }
0x3a: {  	[tilespmem:s15], [sflag:$0x1] =	stream.indirect.gather [hbm4b:s4+s14], $0x20, s24, s14, $0xb8;
	[tilespmem:$0x10E00] =	vst v63  }
0x3b: {  	_ =	swait.ge [sflag:s18], $0x1000  }
.Ltmp0:
0x3c: {  	[sflag:s18] =	ssyncset.done $0x0;
	(pc) =	sbr.rel @p0 .LBB2_2-.Ltmp0, $4  }
0x3d: {  	s23 =	sadd.s32 $0x4F80, s23;
	[sflag:s18] =	ssyncadd.s32 $0xFFFFF000  }
0x3e: {  	[spmem:s2] =	stream.indirect.scatter.add.f32 [tilespmem:s16], [sflag:$0x3], $0x20, s23, s14, $0xb8;
	[tilespmem:$0x10E00] =	vst v63  }
0x3f: {  	_ =	swait.ge [sflag:s12], $0x1000  }
0x40: {  	s24 =	smov.u32 s28;
	s23 =	sshra.s32 s26, $0x2;
	[sflag:s12] =	ssyncset.done $0x0  }
0x41: {  	s24 =	sadd.s32 $0x80, s23;
	[sflag:s12] =	ssyncadd.s32 $0xFFFFF000  }
0x42: {  	[tilespmem:s16], [sflag:$0x2] =	stream.indirect.gather [hbm4b:s4+s14], $0x20, s24, s14, $0xb8;
	[tilespmem:$0x10E00] =	vst v63  }
0x43: {  	_ =	swait.ge [sflag:s17], $0x1000  }
0x44: {  	[sflag:s17] =	ssyncset.done $0x0  }
0x45: {  	s29 =	sadd.s32 $0x4F00, s23;
	[sflag:s17] =	ssyncadd.s32 $0xFFFFF000  }
0x46: {  	[spmem:s2] =	stream.indirect.scatter.add.f32 [tilespmem:s15], [sflag:$0x3], $0x20, s29, s14, $0xb8;
	[tilespmem:$0x10E00] =	vst v63  }
0x47: {  	_ =	swait.ge [sflag:s12], $0x1000  }
0x48: {  	[sflag:s12] =	ssyncset.done $0x0  }
0x49: {  	s30 =	sadd.s32 $0x100, s23;
	[sflag:s12] =	ssyncadd.s32 $0xFFFFF000  }
0x4a: {  	[tilespmem:s15], [sflag:$0x1] =	stream.indirect.gather [hbm4b:s4+s14], $0x20, s30, s14, $0xb8;
	[tilespmem:$0x10E00] =	vst v63  }
0x4b: {  	_ =	swait.ge [sflag:s18], $0x1000  }
0x4c: {  	[sflag:s18] =	ssyncset.done $0x0  }
0x4d: {  	s31 =	sadd.s32 $0x4F80, s23;
	[sflag:s18] =	ssyncadd.s32 $0xFFFFF000  }
0x4e: {  	[spmem:s2] =	stream.indirect.scatter.add.f32 [tilespmem:s16], [sflag:$0x3], $0x20, s31, s14, $0xb8;
	[tilespmem:$0x10E00] =	vst v63  }
0x4f: {  	_ =	swait.ge [sflag:s12], $0x1000  }
0x50: {  	[sflag:s12] =	ssyncset.done $0x0  }
0x51: {  	[sflag:s12] =	ssyncadd.s32 $0xFFFFF000  }
0x52: {  	[tilespmem:s16], [sflag:$0x2] =	stream.indirect.gather [hbm4b:s4+s14], $0x20, s19, s14, $0xb8;
	[tilespmem:$0x10E00] =	vst v63  }
0x53: {  	_ =	swait.ge [sflag:s17], $0x1000  }
0x54: {  	[sflag:s17] =	ssyncset.done $0x0  }
0x55: {  	[sflag:s17] =	ssyncadd.s32 $0xFFFFF000  }
0x56: {  	[spmem:s2] =	stream.indirect.scatter.add.f32 [tilespmem:s15], [sflag:$0x3], $0x20, s20, s14, $0xb8;
	[tilespmem:$0x10E00] =	vst v63  }
0x57: {  	_ =	swait.ge [sflag:s12], $0x1000  }
0x58: {  	[sflag:s12] =	ssyncset.done $0x0  }
0x59: {  	[sflag:s12] =	ssyncadd.s32 $0xFFFFF000  }
0x5a: {  	_ =	swait.ge [sflag:s18], $0x1000  }
0x5b: {  	[sflag:s18] =	ssyncset.done $0x0  }
0x5c: {  	[sflag:s18] =	ssyncadd.s32 $0xFFFFF000  }
0x5d: {  	[spmem:s2] =	stream.indirect.scatter.add.f32 [tilespmem:s16], [sflag:$0x3], $0x20, s21, s14, $0xb8;
	[tilespmem:$0x10E00] =	vst v63  }
0x5e: {  	_ =	swait.ge [sflag:s12], $0x1000  }
0x5f: {  	s22 =	sadd.s32 $0x1, s22;
	[sflag:s12] =	ssyncset.done $0x0  }
0x60: {  	p0 =	sne.s32 s22, s10;
	[sflag:s12] =	ssyncadd.s32 $0xFFFFF000  }
.Ltmp1:
0x61: {  	[bflag:$0x0] =	sbarrier.arrive $0xFFFF;
	(pc) =	sbr.rel @p0 .LBB2_1-.Ltmp1, $4  }
0x62: {  	[hbm:s9], [sflag:s6] =	dma.local [spmem:s11], $0xA00  }
0x63: {  	_ =	swait.ge [sflag:s12], $0xA00  }
0x64: {  	[sflag:s12] =	ssyncset.done $0x0  }
0x65: {  	[sflag:s12] =	ssyncadd.s32 $0xFFFFF600  }
0x66: {  	_ =	sfence.sel $0x180000  }
0x67: {  	[bflag:$0x0] =	sbarrier.arrive $0xFFFF  }
0x68: {  	p0 =	sne.s32 s0, $0x0;
	_ =	strace $0x9000004D  }
0x69: {  	s0 =	sadd.s32 @!p0 $0x100000, s1;
	[bflag:$0x2] =	sbarrier.arrive $0xFFFF  }
0x6a: {  	[sflag:s0] =	ssyncadd.tile.s32 @!p0 $0x1;
	_ =	shalt  }
.Lfunc_end2:
_tile_overlayer_lowered:
.L_overlay_start_2:
0x6b: {  	(tag) =	ssettag $0x2  }
0x6c: {  	s0 =	rddreg [dreg:$0x0];
	s2 =	stileid.u32  }
0x6d: {  	s1 =	rddreg [dreg:$0x1];
	p0 =	sne.s32 s2, $0x0  }
0x6e: {  	s3 =	rddreg [dreg:$0x2];
	[bflag:$0x3] =	sbarrier.arrive $0xFFFF;
	s2 =	simm.s32 @!p0 $0x1C03  }
0x6f: {  	[timem:s3], [sflag:s2] =	dma.local @!p0 [hbm:s0], s1  }
0x70: {  	s0 =	simm.s32 @!p0 $0x3  }
0x71: {  	_ =	swait.ge @!p0 [sflag:s0], s1  }
0x72: {  	s1 =	ssub.s32 @!p0 $0x0, s1;
	[sflag:s0] =	ssyncset.done @!p0 $0x0  }
0x73: {  	[sflag:s0] =	ssyncadd.s32 @!p0 s1  }
0x74: {  	[bflag:$0x3] =	sbarrier.arrive $0xFFFF  }
0x75: {  	_ =	shalt  }

// kernel: kernel.8.cloned.1.call-start
scs
__scs_entry_jumppad:
0x0: {  	(pc) =	sbr.rel $0x88, $3  }
0x1: {  	(tag) =	ssettag $0x0;
	lr =	simm.s32 $0x1  }
0x2: {  	[smem:$0x3F9B] =	sst lr;
	_ =	strace $0xD0000000  }
0x3: {  	_ = 	snop  }
0x4: {  	_ = 	snop  }
0x5: {  	_ = 	snop  }
0x6: {  	_ = 	snop  }
0x7: {  	_ = 	snop  }
__scs_overlays_trampoline_lowered:
0x8: {  	[smem:$0x3FAA] =	sst s0  }
0x9: {  	[smem:$0x3FAB] =	sst s1  }
0xa: {  	[smem:$0x3FAC] =	sst s2  }
0xb: {  	[smem:$0x3FAD] =	sst s3  }
0xc: {  	[smem:$0x3FAE] =	sst s4  }
0xd: {  	[smem:$0x3FAF] =	sst s5  }
0xe: {  	[smem:$0x3FB0] =	sst s6  }
0xf: {  	[smem:$0x3FB1] =	sst s7  }
0x10: {  	[smem:$0x3FB2] =	sst s8  }
0x11: {  	[smem:$0x3FB3] =	sst s9;
	s0 =	simm.s32 @!p0 $0x0  }
0x12: {  	s1 =	sld [smem:$0x3F99];
	s0 =	simm.s32 @p0 $0x1  }
0x13: {  	[smem:$0x3FB4] =	sst s0;
	s0 =	simm.s32 @!p1 $0x0  }
0x14: {  	s2 =	sld [smem:$0x3F98];
	s0 =	simm.s32 @p1 $0x1  }
0x15: {  	[smem:$0x3FB5] =	sst s0;
	s0 =	simm.s32 @!p2 $0x0  }
0x16: {  	s3 =	sld [smem:$0x3FDB];
	s0 =	simm.s32 @p2 $0x1  }
0x17: {  	s4 =	simm.s32 $0x1BF5;
	[smem:$0x3FB7] =	sst s0  }
0x18: {  	s0 =	sld [smem:$0x3F9A];
	_ =	swait.ge [sflag:s4], $0x0  }
0x19: {  	s7 =	sld [smem:$0x3F9B]  }
0x1a: {  	s8 =	sadd.s32 $0xFFFFE003, lr  }
0x1b: {  	s9 =	sadd.s32 $0xFFFFFEF7, lr;
	s5 =	simm.s32 $0xFFFFFFFF;
	p2 =	slt.u32 s8, $0xFFFFF086  }
0x1c: {  	p1 =	slt.u32 s9, $0xF7A;
	s5 =	simm.s32 @!p2 $0x0  }
0x1d: {  	s5 =	simm.s32 @p1 $0x1;
	p0 =	seq.s32 s7, s2  }
0x1e: {  	s7 =	smul.u32 @!p0 $0xF7A, s2;
	p2 =	seq.s32 @!p0 s5, $0x0  }
0x1f: {  	s9 =	smul.u32 $0xF7A, s1;
	s8 =	simm.s32 @!p0 $0x1BF5;
	p2 =	por !p2, p0  }
0x20: {  	[sflag:s8] =	ssyncset.s32 @!p0 $0xFFFFF086;
	s6 =	sadd.s32 @!p0 s3, s7;
	s7 =	simm.s32 @!p0 $0x108  }
0x21: {  	s3 =	sadd.s32 s3, s9;
	s6 =	sadd.s32 @!p0 $0x88, s6;
	s7 =	simm.s32 @p2 $0x1082  }
0x22: {  	[simem:s7], [sflag:s8] =	dma.local @!p0 [hbm:s6], $0xF7A  }
0x23: {  	s9 =	sor.u32 $0xD0000000, s2;
	s6 =	simm.s32 $0x108;
	_ =	swait.ge @!p0 [sflag:s8], $0x0  }
0x24: {  	s3 =	sadd.s32 $0x88, s3;
	s6 =	simm.s32 @!p1 $0x1082;
	[sflag:s4] =	ssyncset.s32 $0xFFFFF086  }
0x25: {  	[simem:s6], [sflag:s4] =	dma.local [hbm:s3], $0xF7A  }
0x26: {  	[smem:$0x3F9B] =	sst s1;
	(tag) =	ssettag s2;
	_ =	strace s9  }
0x27: {  	s1 =	sld [smem:$0x3FAB]  }
0x28: {  	s2 =	sld [smem:$0x3FAC]  }
0x29: {  	s4 =	sld [smem:$0x3FAE]  }
0x2a: {  	p0 =	seq.s32 s5, $0x0;
	s5 =	sld [smem:$0x3FAF]  }
0x2b: {  	s6 =	sld [smem:$0x3FB0]  }
0x2c: {  	s7 =	sld [smem:$0x3FB1]  }
0x2d: {  	s3 =	simm.s32 $0x108;
	s8 =	sld [smem:$0x3FB2]  }
0x2e: {  	s3 =	simm.s32 @!p0 $0x1082;
	s9 =	sld [smem:$0x3FB3]  }
0x2f: {  	lr =	sadd.s32 s0, s3;
	s0 =	sld [smem:$0x3FAA]  }
0x30: {  	s3 =	sld [smem:$0x3FAD]  }
0x31: {  	[smem:$0x3FB6] =	sst s10  }
0x32: {  	s10 =	sld [smem:$0x3FB4];
	_ =	sdelay $0x3  }
0x33: {  	p0 =	seq.s32 s10, $0x1;
	s10 =	sld [smem:$0x3FB6];
	_ =	sdelay $0x3  }
0x34: {  	[smem:$0x3FB6] =	sst s10  }
0x35: {  	s10 =	sld [smem:$0x3FB5];
	_ =	sdelay $0x3  }
0x36: {  	p1 =	seq.s32 s10, $0x1;
	s10 =	sld [smem:$0x3FB6];
	_ =	sdelay $0x3  }
0x37: {  	[smem:$0x3FB6] =	sst s10  }
0x38: {  	s10 =	sld [smem:$0x3FB7]  }
0x39: {  	_ = 	snop;
	(pc) =	sbr.ind lr, $3  }
0x3a: {  	_ = 	snop  }
0x3b: {  	_ = 	snop  }
0x3c: {  	p2 =	seq.s32 s10, $0x1;
	s10 =	sld [smem:$0x3FB6]  }
0x3d: {  	_ =	shalt  }
0x3e: {  	_ =	shalt  }
0x3f: {  	_ =	shalt  }
0x40: {  	_ =	shalt  }
0x41: {  	_ =	shalt  }
0x42: {  	_ =	shalt  }
0x43: {  	_ =	shalt  }
0x44: {  	_ =	shalt  }
0x45: {  	_ =	shalt  }
0x46: {  	_ =	shalt  }
0x47: {  	_ =	shalt  }
0x48: {  	_ =	shalt  }
0x49: {  	_ =	shalt  }
0x4a: {  	_ =	shalt  }
0x4b: {  	_ =	shalt  }
0x4c: {  	_ =	shalt  }
0x4d: {  	_ =	shalt  }
0x4e: {  	_ =	shalt  }
0x4f: {  	_ =	shalt  }
0x50: {  	_ =	shalt  }
0x51: {  	_ =	shalt  }
0x52: {  	_ =	shalt  }
0x53: {  	_ =	shalt  }
0x54: {  	_ =	shalt  }
0x55: {  	_ =	shalt  }
0x56: {  	_ =	shalt  }
0x57: {  	_ =	shalt  }
0x58: {  	_ =	shalt  }
0x59: {  	_ =	shalt  }
0x5a: {  	_ =	shalt  }
0x5b: {  	_ =	shalt  }
0x5c: {  	_ =	shalt  }
0x5d: {  	_ =	shalt  }
0x5e: {  	_ =	shalt  }
0x5f: {  	_ =	shalt  }
0x60: {  	_ =	shalt  }
0x61: {  	_ =	shalt  }
0x62: {  	_ =	shalt  }
0x63: {  	_ =	shalt  }
0x64: {  	_ =	shalt  }
0x65: {  	_ =	shalt  }
0x66: {  	_ =	shalt  }
0x67: {  	_ =	shalt  }
0x68: {  	_ =	shalt  }
0x69: {  	_ =	shalt  }
0x6a: {  	_ =	shalt  }
0x6b: {  	_ =	shalt  }
0x6c: {  	_ =	shalt  }
0x6d: {  	_ =	shalt  }
0x6e: {  	_ =	shalt  }
0x6f: {  	_ =	shalt  }
0x70: {  	_ =	shalt  }
0x71: {  	_ =	shalt  }
0x72: {  	_ =	shalt  }
0x73: {  	_ =	shalt  }
0x74: {  	_ =	shalt  }
0x75: {  	_ =	shalt  }
0x76: {  	_ =	shalt  }
0x77: {  	_ =	shalt  }
0x78: {  	_ =	shalt  }
0x79: {  	_ =	shalt  }
0x7a: {  	_ =	shalt  }
0x7b: {  	_ =	shalt  }
0x7c: {  	_ =	shalt  }
0x7d: {  	_ =	shalt  }
0x7e: {  	_ =	shalt  }
0x7f: {  	_ =	shalt  }
0x80: {  	_ =	shalt  }
0x81: {  	_ =	shalt  }
0x82: {  	_ =	shalt  }
0x83: {  	_ =	shalt  }
0x84: {  	_ =	shalt  }
0x85: {  	_ =	shalt  }
0x86: {  	_ =	shalt  }
0x87: {  	_ =	shalt  }
.Lfunc_end0:
.L_simem_size_0:
called_computation_lowered:
.L_overlay_start_0:
0x88: {  	s2 =	sld [smem:$0x3FD9]  }
0x89: {  	s3 =	sld [smem:$0x3FFE];
	_ =	sdelay $0x1  }
0x8a: {  	s1 =	srdreg.scid  }
0x8b: {  	s0 =	sand.u32 $0x1, s1  }
0x8c: {  	s16 =	sshll.u32 s0, $0xA;
	s2 =	sadd.s32 s3, s2  }
0x8d: {  	s2 =	sadd.s32 s2, s16  }
0x8e: {  	[smem:$0x3FC2] =	sst s2  }
0x8f: {  	_ = 	snop  }
0x90: {  	(tm) =	ssettm $0x1  }
0x91: {  	s17 =	sld [smem:$0x3FFB];
	_ =	sdelay $0x3  }
0x92: {  	_ =	strace s17  }
0x93: {  	s2 =	sld [smem:$0x3FFC];
	_ =	sdelay $0x3  }
0x94: {  	_ =	strace s2  }
0x95: {  	s2 =	sld [smem:$0x3FFD];
	_ =	sdelay $0x3  }
0x96: {  	_ =	strace s2  }
0x97: {  	_ =	strace $0x8FFFFFFF  }
0x98: {  	s18 =	sld [smem:$0x3FDB];
	_ =	sdelay $0x1  }
0x99: {  	s19 =	simm.s32 $_scs_section_size  }
0x9a: {  	s4 =	simm.s32 $_size__tile_overlayer_lowered;
	s5 =	simm.s32 $_tile_overlayer_lowered  }
0x9b: {  	s22 =	simm.s32 $0x1BFF;
	s21 =	sshll.u32 s5, $0x1;
	s2 =	sadd.s32 s19, s18  }
0x9c: {  	s6 =	simm.s32 $0x0;
	s20 =	sshll.u32 s4, $0x1;
	s4 =	sadd.s32 s21, s2  }
0x9d: {  	[timem:s6], [sflag:s22] =	dma.local [hbm:s4], s20  }
0x9e: {  	_ =	swait.ge [sflag:s22], s20  }
0x9f: {  	s3 =	ssub.s32 $0x0, s20;
	[sflag:s22] =	ssyncset.done $0x0  }
0xa0: {  	[sflag:s22] =	ssyncadd.s32 s3;
	_ =	sdelay $0x1  }
0xa1: {  	s23 =	simm.s32 $0x1B8B  }
0xa2: {  	_ =	swait.ge [sflag:s23], $0x1  }
0xa3: {  	[sflag:s23] =	ssyncset.done $0x0  }
0xa4: {  	s25 =	simm.s32 $0x1B8E;
	s24 =	sld [smem:$0x3FFE];
	[sflag:s23] =	ssyncadd.s32 $0xFFFFFFFF  }
0xa5: {  	s26 =	simm.s32 $execute0_lowered;
	[smem:$0x3FD2] =	sst s25  }
0xa6: {  	s4 =	sshll.u32 s26, $0x1;
	_ =	strace $0x80000046;
	[dreg:$0x1] =	wrdreg $0xFFFFFFFF  }
0xa7: {  	s28 =	simm.s32 $_size_execute0_lowered;
	s2 =	sadd.s32 s2, s4;
	[dreg:$0x0] =	wrdreg $0x0  }
0xa8: {  	s4 =	sshll.u32 s28, $0x1;
	[dreg:$0x2] =	wrdreg s2  }
0xa9: {  	[dreg:$0x3] =	wrdreg s4  }
0xaa: {  	[dreg:$0x4] =	wrdreg $0xC0  }
0xab: {  	_ =	task [dreg:s6], $0x5FFFF  }
0xac: {  	[dreg:$0x1] =	wrdreg $0xFFFFFFFF  }
0xad: {  	[dreg:$0x0] =	wrdreg $0x60  }
0xae: {  	[dreg:$0x2] =	wrdreg s24  }
0xaf: {  	[dreg:$0x3] =	wrdreg $0x2F800  }
0xb0: {  	[dreg:$0x4] =	wrdreg $0x9  }
0xb1: {  	_ =	task.clear_ibuf [dreg:s6], $0x5FFFF;
	_ =	strace $0x90000046  }
0xb2: {  	s29 =	simm.s32 $0x9;
	_ =	strace $0x80000048  }
0xb3: {  	_ =	swait.ge [sflag:s29], $0x1  }
0xb4: {  	[sflag:s29] =	ssyncadd.s32 $0xFFFFFFFF  }
0xb5: {  	_ =	strace $0x90000048  }
0xb6: {  	_ =	sfence  }
0xb7: {  	s30 =	sld [smem:$0x0];
	_ =	sdelay $0x2  }
0xb8: {  	s31 =	sshll.u32 s1, $0xD;
	s1 =	sshrl.u32 s1, $0x2  }
0xb9: {  	s3 =	sand.u32 $0x4000, s31;
	s1 =	sadd.s32 s1, s30  }
0xba: {  	s0 =	sor.u32 s3, s0;
	s1 =	sshll.u32 s1, $0x11  }
0xbb: {  	s0 =	sor.u32 s1, s0  }
0xbc: {  	s0 =	sadd.s32 $0x8F2B, s0  }
0xbd: {  	[sflag:s0] =	ssyncadd.remote.s32 $0x1  }
0xbe: {  	_ =	sfence.sel $0xFFFF  }
0xbf: {  	[dreg:$0x0] =	wrdreg $0xFFFFFFFF;
	(pc) =	sbr.abs _section_cstart, $3  }
0xc0: {  	[dreg:$0x1] =	wrdreg $0xFFFFFFFF  }
0xc1: {  	_ =	task.clear_ibuf [dreg:s6], $0x2FFFF;
	_ =	strace $0x9FFFFFFF  }
0xc2: {  	(tm) =	ssettm $0x7FFFFFFF  }
0xc3: {  	_ =	shalt  }
tec
execute0_lowered:
.L_overlay_start_1:
0x0: {  	(tag) =	ssettag $0x1  }
0x1: {  	s6 =	rddreg [dreg:$0x0]  }
0x2: {  	s0 =	srdreg.scid;
	s2 =	rddreg [dreg:$0x1]  }
0x3: {  	s3 =	simm.s32 $0x0;
	s5 =	sand.u32 $0x1, s0;
	s0 =	stileid.u32  }
0x4: {  	s13 =	simm.s32 $0x80;
	s14 =	simm.s32 $0x0;
	s7 =	smul.u32 $0x2800, s0  }
0x5: {  	[smem:$0x7FF] =	sst s3;
	s1 =	sshll.u32 s5, $0x4;
	s8 =	smul.u32 $0x500, s0  }
0x6: {  	s9 =	smul.u32 $0x5000, s5;
	s5 =	ssub.s32 $0x2, s5;
	s1 =	sor.u32 s0, s1  }
0x7: {  	s31 =	sshll.u32 s0, $0x6;
	s30 =	sshrl.u32 s5, $0x1;
	s4 =	smul.u32 $0x4F0, s1  }
0x8: {  	s1 =	rddreg [dreg:$0x2];
	_ =	strace $0x80000047;
	s11 =	sshrl.u32 s7, $0x3  }
0x9: {  	s8 =	sadd.s32 s8, s9;
	s9 =	ssub.s32 s5, s30;
	s12 =	sadd.s32 s7, s2  }
0xa: {  	s11 =	sadd.s32 s11, s6;
	s8 =	sadd.s32 s8, s6;
	s9 =	smax.u32 s9, $0x1  }
0xb: {  	s10 =	sadd.s32 s4, s6;
	s4 =	sadd.s32 $0x1200, s6;
	s5 =	sadd.s32 $0x15000, s11  }
0xc: {  	s6 =	sor.u32 $0x1C01, s31;
	s8 =	sadd.s32 $0x1A000, s8;
	s11 =	simm.s32 $0x1  }
0xd: {  	s7 =	sadd.s32 $0x1400, s10;
	s10 =	sshrl.u32 s12, $0x3;
	s12 =	simm.s32 $0x2780  }
.LBB2_1:
0xe: {  	[spmem:s10], [sflag:s6] =	dma.local [hbm:s5], $0x500  }
0xf: {  	_ =	swait.ge [sflag:s11], $0x500  }
0x10: {  	[sflag:s11] =	ssyncset.done $0x0  }
0x11: {  	[sflag:s11] =	ssyncadd.s32 $0xFFFFFB00  }
0x12: {  	[tilespmem:s3], [sflag:$0x1] =	stream.linear.gather [hbm4b:s7+s3], $0x2780, $0x38;
	[tilespmem:$0x5780] =	vst v63  }
0x13: {  	_ =	swait.ge [sflag:s11], $0x2780  }
0x14: {  	[sflag:s11] =	ssyncset.done $0x0  }
0x15: {  	[sflag:s11] =	ssyncadd.s32 $0xFFFFD880  }
0x16: {  	[tilespmem:s12], [sflag:$0x1] =	stream.linear.gather [hbm4b:s4+s3], $0x800, $0x38;
	[tilespmem:$0x5780] =	vst v63  }
0x17: {  	_ =	swait.ge [sflag:s11], $0x800  }
0x18: {  	[sflag:s11] =	ssyncset.done $0x0  }
0x19: {  	[sflag:s11] =	ssyncadd.s32 $0xFFFFF800  }
0x1a: {  	s15 =	simm.s32 $0x0;
	[bflag:$0x0] =	sbarrier.arrive $0xFFFF  }
0x1b: {  	[spmem:s2] =	stream.indirect.scatter.add.f32 [tilespmem:s12], [sflag:$0x1], $0x10, s15, s13, $0xb8;
	[tilespmem:$0x5780] =	vst v63  }
0x1c: {  	_ =	swait.ge [sflag:s11], $0x800  }
0x1d: {  	s15 =	simm.s32 $0x200;
	[sflag:s11] =	ssyncset.done $0x0  }
.LBB2_2:
0x1e: {  	s16 =	sshra.s32 s15, $0x2;
	[sflag:s11] =	ssyncadd.s32 $0xFFFFF800;
	p0 =	sne.s32 s15, $0x9C00  }
0x1f: {  	[spmem:s2] =	stream.indirect.scatter.add.f32 [tilespmem:s12], [sflag:$0x1], $0x10, s16, s13, $0xb8;
	[tilespmem:$0x5780] =	vst v63  }
.Ltmp0:
0x20: {  	_ = 	snop;
	(pc) =	sbr.rel @p0 .LBB2_2-.Ltmp0, $4  }
0x21: {  	_ = 	snop  }
0x22: {  	s15 =	sadd.s32 $0x200, s15  }
0x23: {  	_ =	swait.ge [sflag:s11], $0x800  }
0x24: {  	[sflag:s11] =	ssyncset.done $0x0  }
0x25: {  	s14 =	sadd.s32 $0x1, s14  }
0x26: {  	[sflag:s11] =	ssyncadd.s32 $0xFFFFF800;
	p0 =	sne.s32 s14, s9  }
.Ltmp1:
0x27: {  	[bflag:$0x0] =	sbarrier.arrive $0xFFFF;
	(pc) =	sbr.rel @p0 .LBB2_1-.Ltmp1, $4  }
0x28: {  	[hbm:s8], [sflag:s6] =	dma.local [spmem:s10], $0x500  }
0x29: {  	_ =	swait.ge [sflag:s11], $0x500  }
0x2a: {  	[sflag:s11] =	ssyncset.done $0x0  }
0x2b: {  	[sflag:s11] =	ssyncadd.s32 $0xFFFFFB00  }
0x2c: {  	_ =	sfence.sel $0x180000  }
0x2d: {  	[bflag:$0x0] =	sbarrier.arrive $0xFFFF  }
0x2e: {  	p0 =	sne.s32 s0, $0x0;
	_ =	strace $0x90000047  }
0x2f: {  	s0 =	sadd.s32 @!p0 $0x100000, s1;
	[bflag:$0x2] =	sbarrier.arrive $0xFFFF  }
0x30: {  	[sflag:s0] =	ssyncadd.tile.s32 @!p0 $0x1;
	_ =	shalt  }
.Lfunc_end2:
_tile_overlayer_lowered:
.L_overlay_start_2:
0x31: {  	(tag) =	ssettag $0x2  }
0x32: {  	s0 =	rddreg [dreg:$0x0];
	s2 =	stileid.u32  }
0x33: {  	s1 =	rddreg [dreg:$0x1];
	p0 =	sne.s32 s2, $0x0  }
0x34: {  	s3 =	rddreg [dreg:$0x2];
	[bflag:$0x3] =	sbarrier.arrive $0xFFFF;
	s2 =	simm.s32 @!p0 $0x1C01  }
0x35: {  	[timem:s3], [sflag:s2] =	dma.local @!p0 [hbm:s0], s1  }
0x36: {  	s0 =	simm.s32 @!p0 $0x1  }
0x37: {  	_ =	swait.ge @!p0 [sflag:s0], s1  }
0x38: {  	s1 =	ssub.s32 @!p0 $0x0, s1;
	[sflag:s0] =	ssyncset.done @!p0 $0x0  }
0x39: {  	[sflag:s0] =	ssyncadd.s32 @!p0 s1  }
0x3a: {  	[bflag:$0x3] =	sbarrier.arrive $0xFFFF  }
0x3b: {  	_ =	shalt  }

</sc_bundles>
